<compile_context>
chip_gen: v7x
topology: tpu7x:2x2x1
jax: 0.10.2.dev20260603
libtpu: 0.0.44.dev20260713+nightly
codegen_flags: <defaults>
</compile_context>

<pallas_src>
import dataclasses
import functools

import jax
import jax.numpy as jnp
from jax import lax
from jax.experimental import pallas as pl
from jax.experimental.pallas import tpu as pltpu
from jax.experimental.pallas import tpu_sc as plsc

N = 10000
E = 320000
D = 128
H = 128

C = 128
R = E // C
KPT = 80
RP = 32 * KPT
EP = RP * C
NP = 10240
TILE_ROWS = NP // 16

_mesh = plsc.VectorSubcoreMesh(core_axis_name="c", subcore_axis_name="s")

_sc_params = pltpu.CompilerParams()
if "needs_layout_passes" in pltpu.CompilerParams.__dataclass_fields__:
    _sc_params = dataclasses.replace(_sc_params, needs_layout_passes=False)


@functools.partial(
    pl.kernel,
    out_type=[
        jax.ShapeDtypeStruct((2, NP, D), jnp.float32),
        jax.ShapeDtypeStruct((2, NP), jnp.float32),
    ],
    mesh=_mesh,
    scratch_types=[
        pltpu.VMEM((2, C), jnp.int32),
        pltpu.VMEM((2, C), jnp.int32),
        pltpu.VMEM((C, D), jnp.float32),
        pltpu.VMEM((C, D), jnp.float32),
        pltpu.VMEM((C,), jnp.float32),
        pltpu.VMEM((TILE_ROWS,), jnp.float32),
        pltpu.VMEM_SHARED((NP, D), jnp.float32),
        pltpu.VMEM_SHARED((NP,), jnp.float32),
        pltpu.SemaphoreType.DMA,
        pltpu.SemaphoreType.DMA,
        pltpu.SemaphoreType.DMA,
        pltpu.SemaphoreType.DMA,
        pltpu.SemaphoreType.DMA,
    ],
)
def _sc_seg_sum(x_hbm, ei_hbm, sums_hbm, cnts_hbm,
                idx0, idx1, rows, rows1, ones, zcnt,
                acc_sh, cnt_sh, sem, sem1, is0, is1, csem):
    cid = lax.axis_index("c")
    sid = lax.axis_index("s")
    idxb = (idx0, idx1)
    rowsb = (rows, rows1)
    gsem = (sem, sem1)
    isem = (is0, is1)

    @pl.loop(0, C, step=16)
    def _(j):
        ones[pl.ds(j, 16)] = jnp.ones((16,), jnp.float32)

    @pl.loop(0, C)
    def _(i):
        @pl.loop(0, D, step=16)
        def _(j):
            rows[i, pl.ds(j, 16)] = jnp.zeros((16,), jnp.float32)

    @pl.loop(0, TILE_ROWS, step=16)
    def _(j):
        zcnt[pl.ds(j, 16)] = jnp.zeros((16,), jnp.float32)

    base = sid * TILE_ROWS
    for k in range(TILE_ROWS // C):
        pltpu.sync_copy(rows, acc_sh.at[pl.ds(base + k * C, C)])
    pltpu.sync_copy(zcnt, cnt_sh.at[pl.ds(base, TILE_ROWS)])
    plsc.subcore_barrier()

    lo = cid * (R // 2) + sid
    hi = (cid + 1) * (R // 2)

    pltpu.sync_copy(ei_hbm.at[lo], idx0)
    pltpu.async_copy(x_hbm.at[idx0.at[0]], rows, sem)
    pltpu.async_copy(ei_hbm.at[lo + 16], idx1, is1)

    @pl.loop(lo, hi, step=32)
    def _(r0):
        for b in range(2):
            r = r0 + b * 16
            p, q = b, 1 - b

            @pl.when(r < hi)
            def _():
                @pl.when(r + 16 < hi)
                def _():
                    pltpu.make_async_copy(ei_hbm.at[0], idxb[q],
                                          isem[q]).wait()
                    pltpu.async_copy(x_hbm.at[idxb[q].at[0]], rowsb[q],
                                     gsem[q])

                pltpu.make_async_copy(x_hbm.at[pl.ds(0, C)], rowsb[p],
                                      gsem[p]).wait()
                pltpu.async_copy(ones, cnt_sh.at[idxb[p].at[1]],
                                 csem, add=True)
                pltpu.sync_copy(rowsb[p], acc_sh.at[idxb[p].at[1]],
                                add=True)
                pltpu.make_async_copy(ones, cnt_sh.at[pl.ds(0, C)],
                                      csem).wait()

                @pl.when(r + 32 < hi)
                def _():
                    pltpu.async_copy(ei_hbm.at[r + 32], idxb[p],
                                     isem[p])

    plsc.subcore_barrier()

    pltpu.sync_copy(acc_sh.at[pl.ds(base, TILE_ROWS)],
                    sums_hbm.at[cid, pl.ds(base, TILE_ROWS)])
    pltpu.sync_copy(cnt_sh.at[pl.ds(base, TILE_ROWS)],
                    cnts_hbm.at[cid, pl.ds(base, TILE_ROWS)])


@functools.partial(
    pl.kernel,
    out_type=jax.ShapeDtypeStruct((2, NP), jnp.float32),
    mesh=_mesh,
    compiler_params=_sc_params,
    scratch_types=[
        pltpu.VMEM((KPT, C), jnp.int32),
        pltpu.VMEM((KPT, C), jnp.int32),
        pltpu.VMEM((KPT, C), jnp.float32),
        pltpu.VMEM((NP,), jnp.float32),
        pltpu.VMEM((TILE_ROWS,), jnp.float32),
        pltpu.VMEM_SHARED((NP,), jnp.float32),
        pltpu.SemaphoreType.DMA,
    ],
)
def _sc_seg_sum_scalar(s2_hbm, src_hbm, dst_hbm, parts_hbm,
                       srcslab, dstslab, vals, s2loc, zcnt, acc_sh, ssem):
    cid = lax.axis_index("c")
    sid = lax.axis_index("s")
    wid = sid * 2 + cid
    base = sid * TILE_ROWS

    pltpu.sync_copy(src_hbm.at[pl.ds(wid * KPT, KPT)], srcslab)
    pltpu.sync_copy(dst_hbm.at[pl.ds(wid * KPT, KPT)], dstslab)
    pltpu.sync_copy(s2_hbm, s2loc)

    @pl.loop(0, TILE_ROWS, step=16)
    def _(j):
        zcnt[pl.ds(j, 16)] = jnp.zeros((16,), jnp.float32)

    pltpu.sync_copy(zcnt, acc_sh.at[pl.ds(base, TILE_ROWS)])
    plsc.subcore_barrier()

    @pl.loop(0, KPT)
    def _(k):
        for j in range(C // 16):
            idx = srcslab[k, pl.ds(j * 16, 16)]
            vals[k, pl.ds(j * 16, 16)] = plsc.load_gather(s2loc, [idx])
        pltpu.async_copy(vals.at[k], acc_sh.at[dstslab.at[k]], ssem,
                         add=True)

    pltpu.make_async_copy(s2_hbm, s2loc, ssem).wait()
    plsc.subcore_barrier()
    pltpu.sync_copy(acc_sh.at[pl.ds(base, TILE_ROWS)],
                    parts_hbm.at[cid, pl.ds(base, TILE_ROWS)])


def _tc_self(x_ref, wr1_ref, bl1_ref, xr_ref):
    xr_ref[...] = x_ref[...] @ wr1_ref[...] + bl1_ref[...]


def _tc_layer1(s_ref, c_ref, xr_ref, wl1_ref,
               wl2_ref, wr2_ref, bl2_ref, s2_ref, r2b_ref, cntc_ref):
    seg = s_ref[0] + s_ref[1]
    cnt = jnp.maximum(c_ref[0] + c_ref[1], 1.0)
    agg = seg / cnt
    h = jnp.maximum(agg @ wl1_ref[...] + xr_ref[...], 0.0)
    s2_ref[...] = h @ wl2_ref[...]
    r2b_ref[...] = h @ wr2_ref[...] + bl2_ref[...]
    cntc_ref[...] = cnt


def _tc_head(p_ref, cnt_ref, r2b_ref, noise_ref, wmu_ref, bmu_ref,
             wlv_ref, blv_ref, z_ref):
    xm = (p_ref[0] + p_ref[1]) / cnt_ref[...] + r2b_ref[...]
    xm = xm[:N]
    mu = xm * wmu_ref[0, 0] + bmu_ref[0, 0]
    lv = xm * wlv_ref[0, 0] + blv_ref[0, 0]
    z_ref[...] = mu + noise_ref[...] * jnp.exp(lv)


def kernel(x, edge_index, W_l1, b_l1, W_r1, W_l2, b_l2, W_r2,
           w_mu, b_mu, w_lv, b_lv, noise):
    ei_t = edge_index.reshape(2, R, C).transpose(1, 0, 2)
    srcp = jnp.concatenate(
        [edge_index[0], jnp.zeros((EP - E,), jnp.int32)]).reshape(RP, C)
    dstp = jnp.concatenate(
        [edge_index[1], jnp.full((EP - E,), NP - 1, jnp.int32)]
    ).reshape(RP, C)
    xp = jnp.pad(x, ((0, NP - N), (0, 0)))

    sums, cnts = _sc_seg_sum(x, ei_t)

    B = 640
    xr = pl.pallas_call(
        _tc_self,
        grid=(NP // B,),
        in_specs=[
            pl.BlockSpec((B, D), lambda i: (i, 0)),
            pl.BlockSpec((D, H), lambda i: (0, 0)),
            pl.BlockSpec((1, H), lambda i: (0, 0)),
        ],
        out_specs=pl.BlockSpec((B, H), lambda i: (i, 0)),
        out_shape=jax.ShapeDtypeStruct((NP, H), jnp.float32),
    )(xp, W_r1, b_l1.reshape(1, H))

    s2, r2b, cntc = pl.pallas_call(
        _tc_layer1,
        grid=(NP // B,),
        in_specs=[
            pl.BlockSpec((2, B, D), lambda i: (0, i, 0)),
            pl.BlockSpec((2, B, 1), lambda i: (0, i, 0)),
            pl.BlockSpec((B, H), lambda i: (i, 0)),
            pl.BlockSpec((D, H), lambda i: (0, 0)),
            pl.BlockSpec((H, 1), lambda i: (0, 0)),
            pl.BlockSpec((H, 1), lambda i: (0, 0)),
            pl.BlockSpec((1, 1), lambda i: (0, 0)),
        ],
        out_specs=[
            pl.BlockSpec((B, 1), lambda i: (i, 0)),
            pl.BlockSpec((B, 1), lambda i: (i, 0)),
            pl.BlockSpec((B, 1), lambda i: (i, 0)),
        ],
        out_shape=[
            jax.ShapeDtypeStruct((NP, 1), jnp.float32),
            jax.ShapeDtypeStruct((NP, 1), jnp.float32),
            jax.ShapeDtypeStruct((NP, 1), jnp.float32),
        ],
    )(sums, cnts.reshape(2, NP, 1), xr, W_l1,
      W_l2, W_r2, b_l2.reshape(1, 1))

    parts2 = _sc_seg_sum_scalar(s2.reshape(NP), srcp, dstp)

    z = pl.pallas_call(
        _tc_head,
        grid=(1,),
        in_specs=[
            pl.BlockSpec((2, NP, 1), lambda i: (0, 0, 0)),
            pl.BlockSpec((NP, 1), lambda i: (0, 0)),
            pl.BlockSpec((NP, 1), lambda i: (0, 0)),
            pl.BlockSpec((N, 1), lambda i: (0, 0)),
            pl.BlockSpec((1, 1), lambda i: (0, 0)),
            pl.BlockSpec((1, 1), lambda i: (0, 0)),
            pl.BlockSpec((1, 1), lambda i: (0, 0)),
            pl.BlockSpec((1, 1), lambda i: (0, 0)),
        ],
        out_specs=pl.BlockSpec((N, 1), lambda i: (0, 0)),
        out_shape=jax.ShapeDtypeStruct((N, 1), jnp.float32),
    )(parts2.reshape(2, NP, 1), cntc, r2b, noise,
      w_mu, b_mu.reshape(1, 1), w_lv, b_lv.reshape(1, 1))

    return z

# --- scband reference (transcript-rebuilt; emitter-appended) ---
"""Pipeline reference for scband-sgnn-1614907703643 (READ-ONLY COPY).

The authoritative reference and input builder live on the scoring server;
editing this copy changes nothing except your own understanding.
"""

import jax, jax.numpy as jnp
import numpy as np

N = 10000
E = 320000
D = 128
H = 128


def setup_inputs(seed: int = 0) -> dict:
    key = jax.random.key(seed)
    ks = jax.random.split(key, 16)
    x = jax.random.normal(ks[0], (N, D), dtype=jnp.float32)
    edge_index = jax.random.randint(ks[1], (2, E), 0, N, dtype=jnp.int32)
    # SAGEConv1 params: lin_l (with bias) applied to aggregated neighbors, lin_r (no bias) to self
    W_l1 = jax.random.normal(ks[2], (D, H), dtype=jnp.float32) * (1.0 / np.sqrt(D))
    b_l1 = jnp.zeros((H,), dtype=jnp.float32)
    W_r1 = jax.random.normal(ks[3], (D, H), dtype=jnp.float32) * (1.0 / np.sqrt(D))
    # SAGEConv2 params
    W_l2 = jax.random.normal(ks[4], (H, 1), dtype=jnp.float32) * (1.0 / np.sqrt(H))
    b_l2 = jnp.zeros((1,), dtype=jnp.float32)
    W_r2 = jax.random.normal(ks[5], (H, 1), dtype=jnp.float32) * (1.0 / np.sqrt(H))
    # mu / logvar Linear(1, 1)
    w_mu = jax.random.normal(ks[6], (1, 1), dtype=jnp.float32)
    b_mu = jnp.zeros((1,), dtype=jnp.float32)
    w_lv = jax.random.normal(ks[7], (1, 1), dtype=jnp.float32) * 0.1
    b_lv = jnp.zeros((1,), dtype=jnp.float32)
    # reparameterization noise (randn_like) fixed for determinism
    noise = jax.random.normal(ks[8], (N, 1), dtype=jnp.float32)
    return {
        "x": x, "edge_index": edge_index,
        "W_l1": W_l1, "b_l1": b_l1, "W_r1": W_r1,
        "W_l2": W_l2, "b_l2": b_l2, "W_r2": W_r2,
        "w_mu": w_mu, "b_mu": b_mu, "w_lv": w_lv, "b_lv": b_lv,
        "noise": noise,
    }


def _sage_conv(x, src, dst, Wl, bl, Wr):
    # PyG SAGEConv (aggr='mean'): out = lin_l(mean_{j in N(i)} x_j) + lin_r(x_i)
    msg = jnp.take(x, src, axis=0)
    agg = jax.ops.segment_sum(msg, dst, num_segments=N)
    cnt = jax.ops.segment_sum(jnp.ones((src.shape[0], 1), dtype=x.dtype), dst, num_segments=N)
    agg = agg / jnp.clip(cnt, 1.0, None)
    return agg @ Wl + bl + x @ Wr


def reference(x, edge_index, W_l1, b_l1, W_r1, W_l2, b_l2, W_r2, w_mu, b_mu, w_lv, b_lv, noise):
    src = edge_index[0]
    dst = edge_index[1]
    h = _sage_conv(x, src, dst, W_l1, b_l1, W_r1)
    h = jax.nn.relu(h)
    h = _sage_conv(h, src, dst, W_l2, b_l2, W_r2)
    xm = jnp.mean(h, axis=1, keepdims=True)  # [N, 1]
    mu = xm @ w_mu + b_mu
    logvar = xm @ w_lv + b_lv
    std = jnp.exp(logvar)
    z = mu + noise * std
    return z

if __name__ == "__main__":
    import jax
    _d = setup_inputs()
    print(jax.jit(kernel)(*tuple(_d.values())))

</pallas_src>

<mosaic_0001>
#map = affine_map<(d0, d1) -> (0)>
#map1 = affine_map<(d0, d1) -> (0, 0)>
module attributes {stable_mosaic.version = 14 : i64} {
  func.func @_sc_seg_sum_scalar(%arg0: i32, %arg1: i32, %arg2: memref<10240xf32, #tpu.memory_space<hbm>>, %arg3: memref<2560x128xi32, #tpu.memory_space<hbm>>, %arg4: memref<2560x128xi32, #tpu.memory_space<hbm>>, %arg5: memref<2x10240xf32, #tpu.memory_space<hbm>>, %arg6: memref<80x128xi32, #tpu.memory_space<vmem>>, %arg7: memref<80x128xi32, #tpu.memory_space<vmem>>, %arg8: memref<80x128xf32, #tpu.memory_space<vmem>>, %arg9: memref<10240xf32, #tpu.memory_space<vmem>>, %arg10: memref<640xf32, #tpu.memory_space<vmem>>, %arg11: memref<10240xf32, #tpu.memory_space<vmem_shared>>, %arg12: memref<!tpu.dma_semaphore, #tpu.memory_space<semaphore_mem>>) attributes {dimension_semantics = [#tpu.dimension_semantics<core_parallel>, #tpu.dimension_semantics<subcore_parallel>], iteration_bounds = array<i64: 2, 16>, scalar_prefetch = 0 : i64, scratch_operands = 7 : i64, tpu.core_type = #tpu.core_type<sc_vector_subcore>, window_params = [{transform_indices = #map}, {transform_indices = #map1}, {transform_indices = #map1}, {transform_indices = #map1}]} {
    %mul3A = arith.constant 2 : i32
    %mul3A_0 = arith.muli %arg1, %mul3A : i32
    %add3A = arith.addi %mul3A_0, %arg0 : i32
    %mul3A_1 = arith.constant 640 : i32
    %mul3A_2 = arith.muli %arg1, %mul3A_1 : i32
    %mul3A_3 = arith.constant 80 : i32
    %mul3A_4 = arith.muli %add3A, %mul3A_3 : i32
    "tpu.region"() ({
      %run_scoped3A = tpu.sem_alloc : memref<!tpu.dma_semaphore, #tpu.memory_space<semaphore_mem>>
      %dma_start3A = arith.constant 0 : i32
      %dma_start3A_17 = tpu.memref_slice %arg3[%mul3A_4, %dma_start3A] : memref<2560x128xi32, #tpu.memory_space<hbm>> -> memref<80x128xi32, #tpu.memory_space<hbm>>
      %dma_start3A_18 = arith.constant 0 : i32
      %dma_start3A_19 = tpu.memref_slice %arg3[%mul3A_4, %dma_start3A_18] : memref<2560x128xi32, #tpu.memory_space<hbm>> -> memref<80x128xi32, #tpu.memory_space<hbm>>
      tpu.enqueue_dma source(%dma_start3A_19 : memref<80x128xi32, #tpu.memory_space<hbm>>) target(%arg6 : memref<80x128xi32, #tpu.memory_space<vmem>>) target_semaphore(%run_scoped3A : memref<!tpu.dma_semaphore, #tpu.memory_space<semaphore_mem>>)
      %dma_wait3A = arith.constant 0 : i32
      %dma_wait3A_20 = tpu.memref_slice %arg3[%mul3A_4, %dma_wait3A] : memref<2560x128xi32, #tpu.memory_space<hbm>> -> memref<80x128xi32, #tpu.memory_space<hbm>>
      %dma_wait3A_21 = arith.constant 0 : i32
      %dma_wait3A_22 = tpu.memref_slice %arg3[%mul3A_4, %dma_wait3A_21] : memref<2560x128xi32, #tpu.memory_space<hbm>> -> memref<80x128xi32, #tpu.memory_space<hbm>>
      tpu.wait_dma2 semaphore(%run_scoped3A : memref<!tpu.dma_semaphore, #tpu.memory_space<semaphore_mem>>) src(%dma_wait3A_22 : memref<80x128xi32, #tpu.memory_space<hbm>>) dst(%arg6 : memref<80x128xi32, #tpu.memory_space<vmem>>)
      tpu.yield
    }) : () -> ()
    %mul3A_5 = arith.constant 80 : i32
    %mul3A_6 = arith.muli %add3A, %mul3A_5 : i32
    "tpu.region"() ({
      %run_scoped3A = tpu.sem_alloc : memref<!tpu.dma_semaphore, #tpu.memory_space<semaphore_mem>>
      %dma_start3A = arith.constant 0 : i32
      %dma_start3A_17 = tpu.memref_slice %arg4[%mul3A_6, %dma_start3A] : memref<2560x128xi32, #tpu.memory_space<hbm>> -> memref<80x128xi32, #tpu.memory_space<hbm>>
      %dma_start3A_18 = arith.constant 0 : i32
      %dma_start3A_19 = tpu.memref_slice %arg4[%mul3A_6, %dma_start3A_18] : memref<2560x128xi32, #tpu.memory_space<hbm>> -> memref<80x128xi32, #tpu.memory_space<hbm>>
      tpu.enqueue_dma source(%dma_start3A_19 : memref<80x128xi32, #tpu.memory_space<hbm>>) target(%arg7 : memref<80x128xi32, #tpu.memory_space<vmem>>) target_semaphore(%run_scoped3A : memref<!tpu.dma_semaphore, #tpu.memory_space<semaphore_mem>>)
      %dma_wait3A = arith.constant 0 : i32
      %dma_wait3A_20 = tpu.memref_slice %arg4[%mul3A_6, %dma_wait3A] : memref<2560x128xi32, #tpu.memory_space<hbm>> -> memref<80x128xi32, #tpu.memory_space<hbm>>
      %dma_wait3A_21 = arith.constant 0 : i32
      %dma_wait3A_22 = tpu.memref_slice %arg4[%mul3A_6, %dma_wait3A_21] : memref<2560x128xi32, #tpu.memory_space<hbm>> -> memref<80x128xi32, #tpu.memory_space<hbm>>
      tpu.wait_dma2 semaphore(%run_scoped3A : memref<!tpu.dma_semaphore, #tpu.memory_space<semaphore_mem>>) src(%dma_wait3A_22 : memref<80x128xi32, #tpu.memory_space<hbm>>) dst(%arg7 : memref<80x128xi32, #tpu.memory_space<vmem>>)
      tpu.yield
    }) : () -> ()
    "tpu.region"() ({
      %run_scoped3A = tpu.sem_alloc : memref<!tpu.dma_semaphore, #tpu.memory_space<semaphore_mem>>
      tpu.enqueue_dma source(%arg2 : memref<10240xf32, #tpu.memory_space<hbm>>) target(%arg9 : memref<10240xf32, #tpu.memory_space<vmem>>) target_semaphore(%run_scoped3A : memref<!tpu.dma_semaphore, #tpu.memory_space<semaphore_mem>>)
      tpu.wait_dma2 semaphore(%run_scoped3A : memref<!tpu.dma_semaphore, #tpu.memory_space<semaphore_mem>>) src(%arg2 : memref<10240xf32, #tpu.memory_space<hbm>>) dst(%arg9 : memref<10240xf32, #tpu.memory_space<vmem>>)
      tpu.yield
    }) : () -> ()
    %scan3A = arith.constant 0 : i32
    %scan3A_7 = arith.constant 40 : i32
    %scan3A_8 = arith.addi %scan3A, %scan3A_7 : i32
    %scan3A_9 = arith.constant 1 : i32
    scf.for %scan3A_17 = %scan3A to %scan3A_8 step %scan3A_9  : i32 {
      %mul3A_18 = arith.constant 16 : i32
      %mul3A_19 = arith.muli %scan3A_17, %mul3A_18 : i32
      %add3A_20 = arith.constant 0 : i32
      %add3A_21 = arith.addi %add3A_20, %mul3A_19 : i32
      %broadcast_in_dim3A = arith.constant 0.000000e+00 : f32
      %broadcast_in_dim3A_22 = vector.broadcast %broadcast_in_dim3A : f32 to vector<16xf32>
      %swap3A = arith.index_cast %add3A_21 : i32 to index
      %swap3A_23 = tpu.vector_load %arg10[%swap3A] {strides = array<i32>} : memref<640xf32, #tpu.memory_space<vmem>>, vector<16xf32>,
      %swap3A_24 = vector.shape_cast %swap3A_23 : vector<16xf32> to vector<16xf32>
      %swap3A_25 = vector.shape_cast %broadcast_in_dim3A_22 : vector<16xf32> to vector<16xf32>
      tpu.vector_store %arg10[%swap3A], %swap3A_25 {strides = array<i32>} : memref<640xf32, #tpu.memory_space<vmem>>, vector<16xf32>,
    }
    %scan3A_10 = arith.constant 40 : i32
    "tpu.region"() ({
      %run_scoped3A = tpu.sem_alloc : memref<!tpu.dma_semaphore, #tpu.memory_space<semaphore_mem>>
      %dma_start3A = tpu.memref_slice %arg11[%mul3A_2] : memref<10240xf32, #tpu.memory_space<vmem_shared>> -> memref<640xf32, #tpu.memory_space<vmem_shared>>
      %dma_start3A_17 = tpu.memref_slice %arg11[%mul3A_2] : memref<10240xf32, #tpu.memory_space<vmem_shared>> -> memref<640xf32, #tpu.memory_space<vmem_shared>>
      tpu.enqueue_dma source(%arg10 : memref<640xf32, #tpu.memory_space<vmem>>) target(%dma_start3A_17 : memref<640xf32, #tpu.memory_space<vmem_shared>>) target_semaphore(%run_scoped3A : memref<!tpu.dma_semaphore, #tpu.memory_space<semaphore_mem>>)
      %dma_wait3A = tpu.memref_slice %arg11[%mul3A_2] : memref<10240xf32, #tpu.memory_space<vmem_shared>> -> memref<640xf32, #tpu.memory_space<vmem_shared>>
      %dma_wait3A_18 = tpu.memref_slice %arg11[%mul3A_2] : memref<10240xf32, #tpu.memory_space<vmem_shared>> -> memref<640xf32, #tpu.memory_space<vmem_shared>>
      tpu.wait_dma2 semaphore(%run_scoped3A : memref<!tpu.dma_semaphore, #tpu.memory_space<semaphore_mem>>) src(%arg10 : memref<640xf32, #tpu.memory_space<vmem>>) dst(%dma_wait3A_18 : memref<640xf32, #tpu.memory_space<vmem_shared>>)
      tpu.yield
    }) : () -> ()
    %barrier3A = arith.constant 0 : index
    tpu.barrier barrier_id(%barrier3A)
    %scan3A_11 = arith.constant 0 : i32
    %scan3A_12 = arith.constant 80 : i32
    %scan3A_13 = arith.addi %scan3A_11, %scan3A_12 : i32
    %scan3A_14 = arith.constant 1 : i32
    scf.for %scan3A_17 = %scan3A_11 to %scan3A_13 step %scan3A_14  : i32 {
      %mul3A_18 = arith.constant 1 : i32
      %mul3A_19 = arith.muli %scan3A_17, %mul3A_18 : i32
      %add3A_20 = arith.constant 0 : i32
      %add3A_21 = arith.addi %add3A_20, %mul3A_19 : i32
      %get3A = arith.index_cast %add3A_21 : i32 to index
      %get3A_22 = arith.constant 0 : index
      %get3A_23 = tpu.vector_load %arg6[%get3A, %get3A_22] {strides = array<i32>} : memref<80x128xi32, #tpu.memory_space<vmem>>, vector<16xi32>,
      %gather3A = tpu.vector_load_idx %arg9[%get3A_23] : memref<10240xf32, #tpu.memory_space<vmem>>[vector<16xi32>], vector<16xf32>,
      %swap3A = arith.index_cast %add3A_21 : i32 to index
      %swap3A_24 = arith.constant 0 : index
      %swap3A_25 = tpu.vector_load %arg8[%swap3A, %swap3A_24] {strides = array<i32>} : memref<80x128xf32, #tpu.memory_space<vmem>>, vector<16xf32>,
      tpu.vector_store %arg8[%swap3A, %swap3A_24], %gather3A {strides = array<i32>} : memref<80x128xf32, #tpu.memory_space<vmem>>, vector<16xf32>,
      %get3A_26 = arith.index_cast %add3A_21 : i32 to index
      %get3A_27 = arith.constant 16 : index
      %get3A_28 = tpu.vector_load %arg6[%get3A_26, %get3A_27] {strides = array<i32>} : memref<80x128xi32, #tpu.memory_space<vmem>>, vector<16xi32>,
      %gather3A_29 = tpu.vector_load_idx %arg9[%get3A_28] : memref<10240xf32, #tpu.memory_space<vmem>>[vector<16xi32>], vector<16xf32>,
      %swap3A_30 = arith.index_cast %add3A_21 : i32 to index
      %swap3A_31 = arith.constant 16 : index
      %swap3A_32 = tpu.vector_load %arg8[%swap3A_30, %swap3A_31] {strides = array<i32>} : memref<80x128xf32, #tpu.memory_space<vmem>>, vector<16xf32>,
      tpu.vector_store %arg8[%swap3A_30, %swap3A_31], %gather3A_29 {strides = array<i32>} : memref<80x128xf32, #tpu.memory_space<vmem>>, vector<16xf32>,
      %get3A_33 = arith.index_cast %add3A_21 : i32 to index
      %get3A_34 = arith.constant 32 : index
      %get3A_35 = tpu.vector_load %arg6[%get3A_33, %get3A_34] {strides = array<i32>} : memref<80x128xi32, #tpu.memory_space<vmem>>, vector<16xi32>,
      %gather3A_36 = tpu.vector_load_idx %arg9[%get3A_35] : memref<10240xf32, #tpu.memory_space<vmem>>[vector<16xi32>], vector<16xf32>,
      %swap3A_37 = arith.index_cast %add3A_21 : i32 to index
      %swap3A_38 = arith.constant 32 : index
      %swap3A_39 = tpu.vector_load %arg8[%swap3A_37, %swap3A_38] {strides = array<i32>} : memref<80x128xf32, #tpu.memory_space<vmem>>, vector<16xf32>,
      tpu.vector_store %arg8[%swap3A_37, %swap3A_38], %gather3A_36 {strides = array<i32>} : memref<80x128xf32, #tpu.memory_space<vmem>>, vector<16xf32>,
      %get3A_40 = arith.index_cast %add3A_21 : i32 to index
      %get3A_41 = arith.constant 48 : index
      %get3A_42 = tpu.vector_load %arg6[%get3A_40, %get3A_41] {strides = array<i32>} : memref<80x128xi32, #tpu.memory_space<vmem>>, vector<16xi32>,
      %gather3A_43 = tpu.vector_load_idx %arg9[%get3A_42] : memref<10240xf32, #tpu.memory_space<vmem>>[vector<16xi32>], vector<16xf32>,
      %swap3A_44 = arith.index_cast %add3A_21 : i32 to index
      %swap3A_45 = arith.constant 48 : index
      %swap3A_46 = tpu.vector_load %arg8[%swap3A_44, %swap3A_45] {strides = array<i32>} : memref<80x128xf32, #tpu.memory_space<vmem>>, vector<16xf32>,
      tpu.vector_store %arg8[%swap3A_44, %swap3A_45], %gather3A_43 {strides = array<i32>} : memref<80x128xf32, #tpu.memory_space<vmem>>, vector<16xf32>,
      %get3A_47 = arith.index_cast %add3A_21 : i32 to index
      %get3A_48 = arith.constant 64 : index
      %get3A_49 = tpu.vector_load %arg6[%get3A_47, %get3A_48] {strides = array<i32>} : memref<80x128xi32, #tpu.memory_space<vmem>>, vector<16xi32>,
      %gather3A_50 = tpu.vector_load_idx %arg9[%get3A_49] : memref<10240xf32, #tpu.memory_space<vmem>>[vector<16xi32>], vector<16xf32>,
      %swap3A_51 = arith.index_cast %add3A_21 : i32 to index
      %swap3A_52 = arith.constant 64 : index
      %swap3A_53 = tpu.vector_load %arg8[%swap3A_51, %swap3A_52] {strides = array<i32>} : memref<80x128xf32, #tpu.memory_space<vmem>>, vector<16xf32>,
      tpu.vector_store %arg8[%swap3A_51, %swap3A_52], %gather3A_50 {strides = array<i32>} : memref<80x128xf32, #tpu.memory_space<vmem>>, vector<16xf32>,
      %get3A_54 = arith.index_cast %add3A_21 : i32 to index
      %get3A_55 = arith.constant 80 : index
      %get3A_56 = tpu.vector_load %arg6[%get3A_54, %get3A_55] {strides = array<i32>} : memref<80x128xi32, #tpu.memory_space<vmem>>, vector<16xi32>,
      %gather3A_57 = tpu.vector_load_idx %arg9[%get3A_56] : memref<10240xf32, #tpu.memory_space<vmem>>[vector<16xi32>], vector<16xf32>,
      %swap3A_58 = arith.index_cast %add3A_21 : i32 to index
      %swap3A_59 = arith.constant 80 : index
      %swap3A_60 = tpu.vector_load %arg8[%swap3A_58, %swap3A_59] {strides = array<i32>} : memref<80x128xf32, #tpu.memory_space<vmem>>, vector<16xf32>,
      tpu.vector_store %arg8[%swap3A_58, %swap3A_59], %gather3A_57 {strides = array<i32>} : memref<80x128xf32, #tpu.memory_space<vmem>>, vector<16xf32>,
      %get3A_61 = arith.index_cast %add3A_21 : i32 to index
      %get3A_62 = arith.constant 96 : index
      %get3A_63 = tpu.vector_load %arg6[%get3A_61, %get3A_62] {strides = array<i32>} : memref<80x128xi32, #tpu.memory_space<vmem>>, vector<16xi32>,
      %gather3A_64 = tpu.vector_load_idx %arg9[%get3A_63] : memref<10240xf32, #tpu.memory_space<vmem>>[vector<16xi32>], vector<16xf32>,
      %swap3A_65 = arith.index_cast %add3A_21 : i32 to index
      %swap3A_66 = arith.constant 96 : index
      %swap3A_67 = tpu.vector_load %arg8[%swap3A_65, %swap3A_66] {strides = array<i32>} : memref<80x128xf32, #tpu.memory_space<vmem>>, vector<16xf32>,
      tpu.vector_store %arg8[%swap3A_65, %swap3A_66], %gather3A_64 {strides = array<i32>} : memref<80x128xf32, #tpu.memory_space<vmem>>, vector<16xf32>,
      %get3A_68 = arith.index_cast %add3A_21 : i32 to index
      %get3A_69 = arith.constant 112 : index
      %get3A_70 = tpu.vector_load %arg6[%get3A_68, %get3A_69] {strides = array<i32>} : memref<80x128xi32, #tpu.memory_space<vmem>>, vector<16xi32>,
      %gather3A_71 = tpu.vector_load_idx %arg9[%get3A_70] : memref<10240xf32, #tpu.memory_space<vmem>>[vector<16xi32>], vector<16xf32>,
      %swap3A_72 = arith.index_cast %add3A_21 : i32 to index
      %swap3A_73 = arith.constant 112 : index
      %swap3A_74 = tpu.vector_load %arg8[%swap3A_72, %swap3A_73] {strides = array<i32>} : memref<80x128xf32, #tpu.memory_space<vmem>>, vector<16xf32>,
      tpu.vector_store %arg8[%swap3A_72, %swap3A_73], %gather3A_71 {strides = array<i32>} : memref<80x128xf32, #tpu.memory_space<vmem>>, vector<16xf32>,
      %dma_start3A = arith.constant 0 : i32
      %dma_start3A_75 = tpu.memref_slice %arg8[%add3A_21, %dma_start3A] : memref<80x128xf32, #tpu.memory_space<vmem>> -> memref<1x128xf32, #tpu.memory_space<vmem>>
      %dma_start3A_76 = tpu.memref_squeeze %dma_start3A_75 : memref<1x128xf32, #tpu.memory_space<vmem>> -> memref<128xf32, #tpu.memory_space<vmem>>
      %dma_start3A_77 = arith.constant 0 : i32
      %dma_start3A_78 = tpu.memref_slice %arg7[%add3A_21, %dma_start3A_77] : memref<80x128xi32, #tpu.memory_space<vmem>> -> memref<1x128xi32, #tpu.memory_space<vmem>>
      %dma_start3A_79 = tpu.memref_squeeze %dma_start3A_78 : memref<1x128xi32, #tpu.memory_space<vmem>> -> memref<128xi32, #tpu.memory_space<vmem>>
      %dma_start3A_80 = arith.constant 0 : i32
      %dma_start3A_81 = tpu.memref_slice %arg11[%dma_start3A_80] : memref<10240xf32, #tpu.memory_space<vmem_shared>> -> memref<10240xf32, #tpu.memory_space<vmem_shared>>
      tpu.enqueue_indirect_dma source(%dma_start3A_76 : memref<128xf32, #tpu.memory_space<vmem>>) target(%dma_start3A_81 : memref<10240xf32, #tpu.memory_space<vmem_shared>>) offsets(%dma_start3A_79 : memref<128xi32, #tpu.memory_space<vmem>>) semaphore(%arg12 : memref<!tpu.dma_semaphore, #tpu.memory_space<semaphore_mem>>) {add = true}
    }
    %scan3A_15 = arith.constant 80 : i32
    tpu.wait_dma2 semaphore(%arg12 : memref<!tpu.dma_semaphore, #tpu.memory_space<semaphore_mem>>) src(%arg2 : memref<10240xf32, #tpu.memory_space<hbm>>) dst(%arg9 : memref<10240xf32, #tpu.memory_space<vmem>>)
    %barrier3A_16 = arith.constant 0 : index
    tpu.barrier barrier_id(%barrier3A_16)
    "tpu.region"() ({
      %run_scoped3A = tpu.sem_alloc : memref<!tpu.dma_semaphore, #tpu.memory_space<semaphore_mem>>
      %dma_start3A = tpu.memref_slice %arg5[%arg0, %mul3A_2] : memref<2x10240xf32, #tpu.memory_space<hbm>> -> memref<1x640xf32, #tpu.memory_space<hbm>>
      %dma_start3A_17 = tpu.memref_squeeze %dma_start3A : memref<1x640xf32, #tpu.memory_space<hbm>> -> memref<640xf32, #tpu.memory_space<hbm>>
      %dma_start3A_18 = tpu.memref_slice %arg11[%mul3A_2] : memref<10240xf32, #tpu.memory_space<vmem_shared>> -> memref<640xf32, #tpu.memory_space<vmem_shared>>
      tpu.enqueue_dma source(%dma_start3A_18 : memref<640xf32, #tpu.memory_space<vmem_shared>>) target(%dma_start3A_17 : memref<640xf32, #tpu.memory_space<hbm>>) target_semaphore(%run_scoped3A : memref<!tpu.dma_semaphore, #tpu.memory_space<semaphore_mem>>)
      %dma_wait3A = tpu.memref_slice %arg5[%arg0, %mul3A_2] : memref<2x10240xf32, #tpu.memory_space<hbm>> -> memref<1x640xf32, #tpu.memory_space<hbm>>
      %dma_wait3A_19 = tpu.memref_squeeze %dma_wait3A : memref<1x640xf32, #tpu.memory_space<hbm>> -> memref<640xf32, #tpu.memory_space<hbm>>
      %dma_wait3A_20 = tpu.memref_slice %arg11[%mul3A_2] : memref<10240xf32, #tpu.memory_space<vmem_shared>> -> memref<640xf32, #tpu.memory_space<vmem_shared>>
      tpu.wait_dma2 semaphore(%run_scoped3A : memref<!tpu.dma_semaphore, #tpu.memory_space<semaphore_mem>>) src(%dma_wait3A_20 : memref<640xf32, #tpu.memory_space<vmem_shared>>) dst(%dma_wait3A_19 : memref<640xf32, #tpu.memory_space<hbm>>)
      tpu.yield
    }) : () -> ()
    return
  }
}

#map = affine_map<(d0, d1) -> (0, 0)>
#map1 = affine_map<(d0, d1) -> (0, 0, 0)>
module attributes {stable_mosaic.version = 14 : i64} {
  func.func @_sc_seg_sum(%arg0: i32, %arg1: i32, %arg2: memref<10000x128xf32, #tpu.memory_space<hbm>>, %arg3: memref<2500x2x128xi32, #tpu.memory_space<hbm>>, %arg4: memref<2x10240x128xf32, #tpu.memory_space<hbm>>, %arg5: memref<2x10240xf32, #tpu.memory_space<hbm>>, %arg6: memref<2x128xi32, #tpu.memory_space<vmem>>, %arg7: memref<2x128xi32, #tpu.memory_space<vmem>>, %arg8: memref<128x128xf32, #tpu.memory_space<vmem>>, %arg9: memref<128x128xf32, #tpu.memory_space<vmem>>, %arg10: memref<128xf32, #tpu.memory_space<vmem>>, %arg11: memref<640xf32, #tpu.memory_space<vmem>>, %arg12: memref<10240x128xf32, #tpu.memory_space<vmem_shared>>, %arg13: memref<10240xf32, #tpu.memory_space<vmem_shared>>, %arg14: memref<!tpu.dma_semaphore, #tpu.memory_space<semaphore_mem>>, %arg15: memref<!tpu.dma_semaphore, #tpu.memory_space<semaphore_mem>>, %arg16: memref<!tpu.dma_semaphore, #tpu.memory_space<semaphore_mem>>, %arg17: memref<!tpu.dma_semaphore, #tpu.memory_space<semaphore_mem>>, %arg18: memref<!tpu.dma_semaphore, #tpu.memory_space<semaphore_mem>>) attributes {dimension_semantics = [#tpu.dimension_semantics<core_parallel>, #tpu.dimension_semantics<subcore_parallel>], iteration_bounds = array<i64: 2, 16>, scalar_prefetch = 0 : i64, scratch_operands = 13 : i64, tpu.core_type = #tpu.core_type<sc_vector_subcore>, window_params = [{transform_indices = #map}, {transform_indices = #map1}, {transform_indices = #map1}, {transform_indices = #map}]} {
    %scan3A = arith.constant 0 : i32
    %scan3A_0 = arith.constant 8 : i32
    %scan3A_1 = arith.addi %scan3A, %scan3A_0 : i32
    %scan3A_2 = arith.constant 1 : i32
    scf.for %scan3A_62 = %scan3A to %scan3A_1 step %scan3A_2  : i32 {
      %mul3A_63 = arith.constant 16 : i32
      %mul3A_64 = arith.muli %scan3A_62, %mul3A_63 : i32
      %add3A_65 = arith.constant 0 : i32
      %add3A_66 = arith.addi %add3A_65, %mul3A_64 : i32
      %broadcast_in_dim3A = arith.constant 1.000000e+00 : f32
      %broadcast_in_dim3A_67 = vector.broadcast %broadcast_in_dim3A : f32 to vector<16xf32>
      %swap3A = arith.index_cast %add3A_66 : i32 to index
      %swap3A_68 = tpu.vector_load %arg10[%swap3A] {strides = array<i32>} : memref<128xf32, #tpu.memory_space<vmem>>, vector<16xf32>,
      %swap3A_69 = vector.shape_cast %swap3A_68 : vector<16xf32> to vector<16xf32>
      %swap3A_70 = vector.shape_cast %broadcast_in_dim3A_67 : vector<16xf32> to vector<16xf32>
      tpu.vector_store %arg10[%swap3A], %swap3A_70 {strides = array<i32>} : memref<128xf32, #tpu.memory_space<vmem>>, vector<16xf32>,
    }
    %scan3A_3 = arith.constant 8 : i32
    %scan3A_4 = arith.constant 0 : i32
    %scan3A_5 = arith.constant 128 : i32
    %scan3A_6 = arith.addi %scan3A_4, %scan3A_5 : i32
    %scan3A_7 = arith.constant 1 : i32
    scf.for %scan3A_62 = %scan3A_4 to %scan3A_6 step %scan3A_7  : i32 {
      %mul3A_63 = arith.constant 1 : i32
      %mul3A_64 = arith.muli %scan3A_62, %mul3A_63 : i32
      %add3A_65 = arith.constant 0 : i32
      %add3A_66 = arith.addi %add3A_65, %mul3A_64 : i32
      %scan3A_67 = arith.constant 0 : i32
      %scan3A_68 = arith.constant 8 : i32
      %scan3A_69 = arith.addi %scan3A_67, %scan3A_68 : i32
      %scan3A_70 = arith.constant 1 : i32
      scf.for %scan3A_72 = %scan3A_67 to %scan3A_69 step %scan3A_70  : i32 {
        %mul3A_73 = arith.constant 16 : i32
        %mul3A_74 = arith.muli %scan3A_72, %mul3A_73 : i32
        %add3A_75 = arith.constant 0 : i32
        %add3A_76 = arith.addi %add3A_75, %mul3A_74 : i32
        %broadcast_in_dim3A = arith.constant 0.000000e+00 : f32
        %broadcast_in_dim3A_77 = vector.broadcast %broadcast_in_dim3A : f32 to vector<16xf32>
        %swap3A = arith.index_cast %add3A_66 : i32 to index
        %swap3A_78 = arith.index_cast %add3A_76 : i32 to index
        %swap3A_79 = tpu.vector_load %arg8[%swap3A, %swap3A_78] {strides = array<i32>} : memref<128x128xf32, #tpu.memory_space<vmem>>, vector<1x16xf32>,
        %swap3A_80 = vector.shape_cast %swap3A_79 : vector<1x16xf32> to vector<16xf32>
        %swap3A_81 = vector.shape_cast %broadcast_in_dim3A_77 : vector<16xf32> to vector<1x16xf32>
        tpu.vector_store %arg8[%swap3A, %swap3A_78], %swap3A_81 {strides = array<i32>} : memref<128x128xf32, #tpu.memory_space<vmem>>, vector<1x16xf32>,
      }
      %scan3A_71 = arith.constant 8 : i32
    }
    %scan3A_8 = arith.constant 128 : i32
    %scan3A_9 = arith.constant 0 : i32
    %scan3A_10 = arith.constant 40 : i32
    %scan3A_11 = arith.addi %scan3A_9, %scan3A_10 : i32
    %scan3A_12 = arith.constant 1 : i32
    scf.for %scan3A_62 = %scan3A_9 to %scan3A_11 step %scan3A_12  : i32 {
      %mul3A_63 = arith.constant 16 : i32
      %mul3A_64 = arith.muli %scan3A_62, %mul3A_63 : i32
      %add3A_65 = arith.constant 0 : i32
      %add3A_66 = arith.addi %add3A_65, %mul3A_64 : i32
      %broadcast_in_dim3A = arith.constant 0.000000e+00 : f32
      %broadcast_in_dim3A_67 = vector.broadcast %broadcast_in_dim3A : f32 to vector<16xf32>
      %swap3A = arith.index_cast %add3A_66 : i32 to index
      %swap3A_68 = tpu.vector_load %arg11[%swap3A] {strides = array<i32>} : memref<640xf32, #tpu.memory_space<vmem>>, vector<16xf32>,
      %swap3A_69 = vector.shape_cast %swap3A_68 : vector<16xf32> to vector<16xf32>
      %swap3A_70 = vector.shape_cast %broadcast_in_dim3A_67 : vector<16xf32> to vector<16xf32>
      tpu.vector_store %arg11[%swap3A], %swap3A_70 {strides = array<i32>} : memref<640xf32, #tpu.memory_space<vmem>>, vector<16xf32>,
    }
    %scan3A_13 = arith.constant 40 : i32
    %mul3A = arith.constant 640 : i32
    %mul3A_14 = arith.muli %arg1, %mul3A : i32
    %add3A = arith.constant 0 : i32
    %add3A_15 = arith.addi %mul3A_14, %add3A : i32
    "tpu.region"() ({
      %run_scoped3A = tpu.sem_alloc : memref<!tpu.dma_semaphore, #tpu.memory_space<semaphore_mem>>
      %dma_start3A_62 = arith.constant 0 : i32
      %dma_start3A_63 = tpu.memref_slice %arg12[%add3A_15, %dma_start3A_62] : memref<10240x128xf32, #tpu.memory_space<vmem_shared>> -> memref<128x128xf32, #tpu.memory_space<vmem_shared>>
      %dma_start3A_64 = arith.constant 0 : i32
      %dma_start3A_65 = tpu.memref_slice %arg12[%add3A_15, %dma_start3A_64] : memref<10240x128xf32, #tpu.memory_space<vmem_shared>> -> memref<128x128xf32, #tpu.memory_space<vmem_shared>>
      tpu.enqueue_dma source(%arg8 : memref<128x128xf32, #tpu.memory_space<vmem>>) target(%dma_start3A_65 : memref<128x128xf32, #tpu.memory_space<vmem_shared>>) target_semaphore(%run_scoped3A : memref<!tpu.dma_semaphore, #tpu.memory_space<semaphore_mem>>)
      %dma_wait3A = arith.constant 0 : i32
      %dma_wait3A_66 = tpu.memref_slice %arg12[%add3A_15, %dma_wait3A] : memref<10240x128xf32, #tpu.memory_space<vmem_shared>> -> memref<128x128xf32, #tpu.memory_space<vmem_shared>>
      %dma_wait3A_67 = arith.constant 0 : i32
      %dma_wait3A_68 = tpu.memref_slice %arg12[%add3A_15, %dma_wait3A_67] : memref<10240x128xf32, #tpu.memory_space<vmem_shared>> -> memref<128x128xf32, #tpu.memory_space<vmem_shared>>
      tpu.wait_dma2 semaphore(%run_scoped3A : memref<!tpu.dma_semaphore, #tpu.memory_space<semaphore_mem>>) src(%arg8 : memref<128x128xf32, #tpu.memory_space<vmem>>) dst(%dma_wait3A_68 : memref<128x128xf32, #tpu.memory_space<vmem_shared>>)
      tpu.yield
    }) : () -> ()
    %add3A_16 = arith.constant 128 : i32
    %add3A_17 = arith.addi %mul3A_14, %add3A_16 : i32
    "tpu.region"() ({
      %run_scoped3A = tpu.sem_alloc : memref<!tpu.dma_semaphore, #tpu.memory_space<semaphore_mem>>
      %dma_start3A_62 = arith.constant 0 : i32
      %dma_start3A_63 = tpu.memref_slice %arg12[%add3A_17, %dma_start3A_62] : memref<10240x128xf32, #tpu.memory_space<vmem_shared>> -> memref<128x128xf32, #tpu.memory_space<vmem_shared>>
      %dma_start3A_64 = arith.constant 0 : i32
      %dma_start3A_65 = tpu.memref_slice %arg12[%add3A_17, %dma_start3A_64] : memref<10240x128xf32, #tpu.memory_space<vmem_shared>> -> memref<128x128xf32, #tpu.memory_space<vmem_shared>>
      tpu.enqueue_dma source(%arg8 : memref<128x128xf32, #tpu.memory_space<vmem>>) target(%dma_start3A_65 : memref<128x128xf32, #tpu.memory_space<vmem_shared>>) target_semaphore(%run_scoped3A : memref<!tpu.dma_semaphore, #tpu.memory_space<semaphore_mem>>)
      %dma_wait3A = arith.constant 0 : i32
      %dma_wait3A_66 = tpu.memref_slice %arg12[%add3A_17, %dma_wait3A] : memref<10240x128xf32, #tpu.memory_space<vmem_shared>> -> memref<128x128xf32, #tpu.memory_space<vmem_shared>>
      %dma_wait3A_67 = arith.constant 0 : i32
      %dma_wait3A_68 = tpu.memref_slice %arg12[%add3A_17, %dma_wait3A_67] : memref<10240x128xf32, #tpu.memory_space<vmem_shared>> -> memref<128x128xf32, #tpu.memory_space<vmem_shared>>
      tpu.wait_dma2 semaphore(%run_scoped3A : memref<!tpu.dma_semaphore, #tpu.memory_space<semaphore_mem>>) src(%arg8 : memref<128x128xf32, #tpu.memory_space<vmem>>) dst(%dma_wait3A_68 : memref<128x128xf32, #tpu.memory_space<vmem_shared>>)
      tpu.yield
    }) : () -> ()
    %add3A_18 = arith.constant 256 : i32
    %add3A_19 = arith.addi %mul3A_14, %add3A_18 : i32
    "tpu.region"() ({
      %run_scoped3A = tpu.sem_alloc : memref<!tpu.dma_semaphore, #tpu.memory_space<semaphore_mem>>
      %dma_start3A_62 = arith.constant 0 : i32
      %dma_start3A_63 = tpu.memref_slice %arg12[%add3A_19, %dma_start3A_62] : memref<10240x128xf32, #tpu.memory_space<vmem_shared>> -> memref<128x128xf32, #tpu.memory_space<vmem_shared>>
      %dma_start3A_64 = arith.constant 0 : i32
      %dma_start3A_65 = tpu.memref_slice %arg12[%add3A_19, %dma_start3A_64] : memref<10240x128xf32, #tpu.memory_space<vmem_shared>> -> memref<128x128xf32, #tpu.memory_space<vmem_shared>>
      tpu.enqueue_dma source(%arg8 : memref<128x128xf32, #tpu.memory_space<vmem>>) target(%dma_start3A_65 : memref<128x128xf32, #tpu.memory_space<vmem_shared>>) target_semaphore(%run_scoped3A : memref<!tpu.dma_semaphore, #tpu.memory_space<semaphore_mem>>)
      %dma_wait3A = arith.constant 0 : i32
      %dma_wait3A_66 = tpu.memref_slice %arg12[%add3A_19, %dma_wait3A] : memref<10240x128xf32, #tpu.memory_space<vmem_shared>> -> memref<128x128xf32, #tpu.memory_space<vmem_shared>>
      %dma_wait3A_67 = arith.constant 0 : i32
      %dma_wait3A_68 = tpu.memref_slice %arg12[%add3A_19, %dma_wait3A_67] : memref<10240x128xf32, #tpu.memory_space<vmem_shared>> -> memref<128x128xf32, #tpu.memory_space<vmem_shared>>
      tpu.wait_dma2 semaphore(%run_scoped3A : memref<!tpu.dma_semaphore, #tpu.memory_space<semaphore_mem>>) src(%arg8 : memref<128x128xf32, #tpu.memory_space<vmem>>) dst(%dma_wait3A_68 : memref<128x128xf32, #tpu.memory_space<vmem_shared>>)
      tpu.yield
    }) : () -> ()
    %add3A_20 = arith.constant 384 : i32
    %add3A_21 = arith.addi %mul3A_14, %add3A_20 : i32
    "tpu.region"() ({
      %run_scoped3A = tpu.sem_alloc : memref<!tpu.dma_semaphore, #tpu.memory_space<semaphore_mem>>
      %dma_start3A_62 = arith.constant 0 : i32
      %dma_start3A_63 = tpu.memref_slice %arg12[%add3A_21, %dma_start3A_62] : memref<10240x128xf32, #tpu.memory_space<vmem_shared>> -> memref<128x128xf32, #tpu.memory_space<vmem_shared>>
      %dma_start3A_64 = arith.constant 0 : i32
      %dma_start3A_65 = tpu.memref_slice %arg12[%add3A_21, %dma_start3A_64] : memref<10240x128xf32, #tpu.memory_space<vmem_shared>> -> memref<128x128xf32, #tpu.memory_space<vmem_shared>>
      tpu.enqueue_dma source(%arg8 : memref<128x128xf32, #tpu.memory_space<vmem>>) target(%dma_start3A_65 : memref<128x128xf32, #tpu.memory_space<vmem_shared>>) target_semaphore(%run_scoped3A : memref<!tpu.dma_semaphore, #tpu.memory_space<semaphore_mem>>)
      %dma_wait3A = arith.constant 0 : i32
      %dma_wait3A_66 = tpu.memref_slice %arg12[%add3A_21, %dma_wait3A] : memref<10240x128xf32, #tpu.memory_space<vmem_shared>> -> memref<128x128xf32, #tpu.memory_space<vmem_shared>>
      %dma_wait3A_67 = arith.constant 0 : i32
      %dma_wait3A_68 = tpu.memref_slice %arg12[%add3A_21, %dma_wait3A_67] : memref<10240x128xf32, #tpu.memory_space<vmem_shared>> -> memref<128x128xf32, #tpu.memory_space<vmem_shared>>
      tpu.wait_dma2 semaphore(%run_scoped3A : memref<!tpu.dma_semaphore, #tpu.memory_space<semaphore_mem>>) src(%arg8 : memref<128x128xf32, #tpu.memory_space<vmem>>) dst(%dma_wait3A_68 : memref<128x128xf32, #tpu.memory_space<vmem_shared>>)
      tpu.yield
    }) : () -> ()
    %add3A_22 = arith.constant 512 : i32
    %add3A_23 = arith.addi %mul3A_14, %add3A_22 : i32
    "tpu.region"() ({
      %run_scoped3A = tpu.sem_alloc : memref<!tpu.dma_semaphore, #tpu.memory_space<semaphore_mem>>
      %dma_start3A_62 = arith.constant 0 : i32
      %dma_start3A_63 = tpu.memref_slice %arg12[%add3A_23, %dma_start3A_62] : memref<10240x128xf32, #tpu.memory_space<vmem_shared>> -> memref<128x128xf32, #tpu.memory_space<vmem_shared>>
      %dma_start3A_64 = arith.constant 0 : i32
      %dma_start3A_65 = tpu.memref_slice %arg12[%add3A_23, %dma_start3A_64] : memref<10240x128xf32, #tpu.memory_space<vmem_shared>> -> memref<128x128xf32, #tpu.memory_space<vmem_shared>>
      tpu.enqueue_dma source(%arg8 : memref<128x128xf32, #tpu.memory_space<vmem>>) target(%dma_start3A_65 : memref<128x128xf32, #tpu.memory_space<vmem_shared>>) target_semaphore(%run_scoped3A : memref<!tpu.dma_semaphore, #tpu.memory_space<semaphore_mem>>)
      %dma_wait3A = arith.constant 0 : i32
      %dma_wait3A_66 = tpu.memref_slice %arg12[%add3A_23, %dma_wait3A] : memref<10240x128xf32, #tpu.memory_space<vmem_shared>> -> memref<128x128xf32, #tpu.memory_space<vmem_shared>>
      %dma_wait3A_67 = arith.constant 0 : i32
      %dma_wait3A_68 = tpu.memref_slice %arg12[%add3A_23, %dma_wait3A_67] : memref<10240x128xf32, #tpu.memory_space<vmem_shared>> -> memref<128x128xf32, #tpu.memory_space<vmem_shared>>
      tpu.wait_dma2 semaphore(%run_scoped3A : memref<!tpu.dma_semaphore, #tpu.memory_space<semaphore_mem>>) src(%arg8 : memref<128x128xf32, #tpu.memory_space<vmem>>) dst(%dma_wait3A_68 : memref<128x128xf32, #tpu.memory_space<vmem_shared>>)
      tpu.yield
    }) : () -> ()
    "tpu.region"() ({
      %run_scoped3A = tpu.sem_alloc : memref<!tpu.dma_semaphore, #tpu.memory_space<semaphore_mem>>
      %dma_start3A_62 = tpu.memref_slice %arg13[%mul3A_14] : memref<10240xf32, #tpu.memory_space<vmem_shared>> -> memref<640xf32, #tpu.memory_space<vmem_shared>>
      %dma_start3A_63 = tpu.memref_slice %arg13[%mul3A_14] : memref<10240xf32, #tpu.memory_space<vmem_shared>> -> memref<640xf32, #tpu.memory_space<vmem_shared>>
      tpu.enqueue_dma source(%arg11 : memref<640xf32, #tpu.memory_space<vmem>>) target(%dma_start3A_63 : memref<640xf32, #tpu.memory_space<vmem_shared>>) target_semaphore(%run_scoped3A : memref<!tpu.dma_semaphore, #tpu.memory_space<semaphore_mem>>)
      %dma_wait3A = tpu.memref_slice %arg13[%mul3A_14] : memref<10240xf32, #tpu.memory_space<vmem_shared>> -> memref<640xf32, #tpu.memory_space<vmem_shared>>
      %dma_wait3A_64 = tpu.memref_slice %arg13[%mul3A_14] : memref<10240xf32, #tpu.memory_space<vmem_shared>> -> memref<640xf32, #tpu.memory_space<vmem_shared>>
      tpu.wait_dma2 semaphore(%run_scoped3A : memref<!tpu.dma_semaphore, #tpu.memory_space<semaphore_mem>>) src(%arg11 : memref<640xf32, #tpu.memory_space<vmem>>) dst(%dma_wait3A_64 : memref<640xf32, #tpu.memory_space<vmem_shared>>)
      tpu.yield
    }) : () -> ()
    %barrier3A = arith.constant 0 : index
    tpu.barrier barrier_id(%barrier3A)
    %mul3A_24 = arith.constant 1250 : i32
    %mul3A_25 = arith.muli %arg0, %mul3A_24 : i32
    %add3A_26 = arith.addi %mul3A_25, %arg1 : i32
    %add3A_27 = arith.constant 1 : i32
    %add3A_28 = arith.addi %arg0, %add3A_27 : i32
    %mul3A_29 = arith.constant 1250 : i32
    %mul3A_30 = arith.muli %add3A_28, %mul3A_29 : i32
    "tpu.region"() ({
      %run_scoped3A = tpu.sem_alloc : memref<!tpu.dma_semaphore, #tpu.memory_space<semaphore_mem>>
      %dma_start3A_62 = arith.constant 0 : i32
      %dma_start3A_63 = arith.constant 0 : i32
      %dma_start3A_64 = tpu.memref_slice %arg3[%add3A_26, %dma_start3A_62, %dma_start3A_63] : memref<2500x2x128xi32, #tpu.memory_space<hbm>> -> memref<1x2x128xi32, #tpu.memory_space<hbm>>
      %dma_start3A_65 = tpu.memref_squeeze %dma_start3A_64 : memref<1x2x128xi32, #tpu.memory_space<hbm>> -> memref<2x128xi32, #tpu.memory_space<hbm>>
      %dma_start3A_66 = arith.constant 0 : i32
      %dma_start3A_67 = arith.constant 0 : i32
      %dma_start3A_68 = tpu.memref_slice %arg3[%add3A_26, %dma_start3A_66, %dma_start3A_67] : memref<2500x2x128xi32, #tpu.memory_space<hbm>> -> memref<1x2x128xi32, #tpu.memory_space<hbm>>
      %dma_start3A_69 = tpu.memref_squeeze %dma_start3A_68 : memref<1x2x128xi32, #tpu.memory_space<hbm>> -> memref<2x128xi32, #tpu.memory_space<hbm>>
      tpu.enqueue_dma source(%dma_start3A_69 : memref<2x128xi32, #tpu.memory_space<hbm>>) target(%arg6 : memref<2x128xi32, #tpu.memory_space<vmem>>) target_semaphore(%run_scoped3A : memref<!tpu.dma_semaphore, #tpu.memory_space<semaphore_mem>>)
      %dma_wait3A = arith.constant 0 : i32
      %dma_wait3A_70 = arith.constant 0 : i32
      %dma_wait3A_71 = tpu.memref_slice %arg3[%add3A_26, %dma_wait3A, %dma_wait3A_70] : memref<2500x2x128xi32, #tpu.memory_space<hbm>> -> memref<1x2x128xi32, #tpu.memory_space<hbm>>
      %dma_wait3A_72 = tpu.memref_squeeze %dma_wait3A_71 : memref<1x2x128xi32, #tpu.memory_space<hbm>> -> memref<2x128xi32, #tpu.memory_space<hbm>>
      %dma_wait3A_73 = arith.constant 0 : i32
      %dma_wait3A_74 = arith.constant 0 : i32
      %dma_wait3A_75 = tpu.memref_slice %arg3[%add3A_26, %dma_wait3A_73, %dma_wait3A_74] : memref<2500x2x128xi32, #tpu.memory_space<hbm>> -> memref<1x2x128xi32, #tpu.memory_space<hbm>>
      %dma_wait3A_76 = tpu.memref_squeeze %dma_wait3A_75 : memref<1x2x128xi32, #tpu.memory_space<hbm>> -> memref<2x128xi32, #tpu.memory_space<hbm>>
      tpu.wait_dma2 semaphore(%run_scoped3A : memref<!tpu.dma_semaphore, #tpu.memory_space<semaphore_mem>>) src(%dma_wait3A_76 : memref<2x128xi32, #tpu.memory_space<hbm>>) dst(%arg6 : memref<2x128xi32, #tpu.memory_space<vmem>>)
      tpu.yield
    }) : () -> ()
    %dma_start3A = arith.constant 0 : i32
    %dma_start3A_31 = arith.constant 0 : i32
    %dma_start3A_32 = tpu.memref_slice %arg6[%dma_start3A, %dma_start3A_31] : memref<2x128xi32, #tpu.memory_space<vmem>> -> memref<1x128xi32, #tpu.memory_space<vmem>>
    %dma_start3A_33 = tpu.memref_squeeze %dma_start3A_32 : memref<1x128xi32, #tpu.memory_space<vmem>> -> memref<128xi32, #tpu.memory_space<vmem>>
    %dma_start3A_34 = arith.constant 0 : i32
    %dma_start3A_35 = arith.constant 0 : i32
    %dma_start3A_36 = tpu.memref_slice %arg2[%dma_start3A_34, %dma_start3A_35] : memref<10000x128xf32, #tpu.memory_space<hbm>> -> memref<10000x128xf32, #tpu.memory_space<hbm>>
    tpu.enqueue_indirect_dma source(%dma_start3A_36 : memref<10000x128xf32, #tpu.memory_space<hbm>>) target(%arg8 : memref<128x128xf32, #tpu.memory_space<vmem>>) offsets(%dma_start3A_33 : memref<128xi32, #tpu.memory_space<vmem>>) semaphore(%arg14 : memref<!tpu.dma_semaphore, #tpu.memory_space<semaphore_mem>>)
    %add3A_37 = arith.constant 16 : i32
    %add3A_38 = arith.addi %add3A_26, %add3A_37 : i32
    %dma_start3A_39 = arith.constant 0 : i32
    %dma_start3A_40 = arith.constant 0 : i32
    %dma_start3A_41 = tpu.memref_slice %arg3[%add3A_38, %dma_start3A_39, %dma_start3A_40] : memref<2500x2x128xi32, #tpu.memory_space<hbm>> -> memref<1x2x128xi32, #tpu.memory_space<hbm>>
    %dma_start3A_42 = tpu.memref_squeeze %dma_start3A_41 : memref<1x2x128xi32, #tpu.memory_space<hbm>> -> memref<2x128xi32, #tpu.memory_space<hbm>>
    %dma_start3A_43 = arith.constant 0 : i32
    %dma_start3A_44 = arith.constant 0 : i32
    %dma_start3A_45 = tpu.memref_slice %arg3[%add3A_38, %dma_start3A_43, %dma_start3A_44] : memref<2500x2x128xi32, #tpu.memory_space<hbm>> -> memref<1x2x128xi32, #tpu.memory_space<hbm>>
    %dma_start3A_46 = tpu.memref_squeeze %dma_start3A_45 : memref<1x2x128xi32, #tpu.memory_space<hbm>> -> memref<2x128xi32, #tpu.memory_space<hbm>>
    tpu.enqueue_dma source(%dma_start3A_46 : memref<2x128xi32, #tpu.memory_space<hbm>>) target(%arg7 : memref<2x128xi32, #tpu.memory_space<vmem>>) target_semaphore(%arg17 : memref<!tpu.dma_semaphore, #tpu.memory_space<semaphore_mem>>)
    %sub3A = arith.subi %mul3A_30, %add3A_26 : i32
    %sub3A_47 = arith.constant 32 : i32
    %sub3A_48 = arith.constant 1 : i32
    %sub3A_49 = arith.subi %sub3A_47, %sub3A_48 : i32
    %add3A_50 = arith.addi %sub3A, %sub3A_49 : i32
    %div3A = arith.constant 32 : i32
    %div3A_51 = arith.divsi %add3A_50, %div3A : i32
    %while3A = arith.constant 32 : i32
    %while3A_52 = arith.constant 0 : i32
    %while3A_53 = arith.subi %div3A_51, %while3A_52 : i32
    %while3A_54 = arith.addi %while3A_52, %while3A_53 : i32
    %while3A_55 = arith.constant 1 : i32
    %while3A_56 = arith.divsi %while3A_53, %while3A_55 : i32
    %while3A_57 = arith.muli %while3A_56, %while3A_55 : i32
    %while3A_58 = arith.addi %while3A_52, %while3A_57 : i32
    %while3A_59 = arith.constant 1 : i32
    scf.for %while3A_62 = %while3A_52 to %while3A_58 step %while3A_59  : i32 {
      %mul3A_63 = arith.muli %while3A_62, %while3A : i32
      %add3A_64 = arith.addi %add3A_26, %mul3A_63 : i32
      %add3A_65 = arith.constant 0 : i32
      %add3A_66 = arith.addi %add3A_64, %add3A_65 : i32
      %lt3A = arith.cmpi slt, %add3A_66, %mul3A_30 : i32
      %convert_element_type3A = arith.extui %lt3A : i1 to i32
      %cond3A = arith.constant 0 : i32
      %cond3A_67 = arith.cmpi ne, %convert_element_type3A, %cond3A : i32
      scf.if %cond3A_67 {
        %add3A_74 = arith.constant 16 : i32
        %add3A_75 = arith.addi %add3A_66, %add3A_74 : i32
        %lt3A_76 = arith.cmpi slt, %add3A_75, %mul3A_30 : i32
        %convert_element_type3A_77 = arith.extui %lt3A_76 : i1 to i32
        %cond3A_78 = arith.constant 0 : i32
        %cond3A_79 = arith.cmpi ne, %convert_element_type3A_77, %cond3A_78 : i32
        scf.if %cond3A_79 {
          %dma_wait3A_101 = arith.constant 0 : i32
          %dma_wait3A_102 = arith.constant 0 : i32
          %dma_wait3A_103 = arith.constant 0 : i32
          %dma_wait3A_104 = tpu.memref_slice %arg3[%dma_wait3A_101, %dma_wait3A_102, %dma_wait3A_103] : memref<2500x2x128xi32, #tpu.memory_space<hbm>> -> memref<1x2x128xi32, #tpu.memory_space<hbm>>
          %dma_wait3A_105 = tpu.memref_squeeze %dma_wait3A_104 : memref<1x2x128xi32, #tpu.memory_space<hbm>> -> memref<2x128xi32, #tpu.memory_space<hbm>>
          %dma_wait3A_106 = arith.constant 0 : i32
          %dma_wait3A_107 = arith.constant 0 : i32
          %dma_wait3A_108 = tpu.memref_slice %arg3[%dma_wait3A_101, %dma_wait3A_106, %dma_wait3A_107] : memref<2500x2x128xi32, #tpu.memory_space<hbm>> -> memref<1x2x128xi32, #tpu.memory_space<hbm>>
          %dma_wait3A_109 = tpu.memref_squeeze %dma_wait3A_108 : memref<1x2x128xi32, #tpu.memory_space<hbm>> -> memref<2x128xi32, #tpu.memory_space<hbm>>
          tpu.wait_dma2 semaphore(%arg17 : memref<!tpu.dma_semaphore, #tpu.memory_space<semaphore_mem>>) src(%dma_wait3A_109 : memref<2x128xi32, #tpu.memory_space<hbm>>) dst(%arg7 : memref<2x128xi32, #tpu.memory_space<vmem>>)
          %dma_start3A_110 = arith.constant 0 : i32
          %dma_start3A_111 = arith.constant 0 : i32
          %dma_start3A_112 = tpu.memref_slice %arg7[%dma_start3A_110, %dma_start3A_111] : memref<2x128xi32, #tpu.memory_space<vmem>> -> memref<1x128xi32, #tpu.memory_space<vmem>>
          %dma_start3A_113 = tpu.memref_squeeze %dma_start3A_112 : memref<1x128xi32, #tpu.memory_space<vmem>> -> memref<128xi32, #tpu.memory_space<vmem>>
          %dma_start3A_114 = arith.constant 0 : i32
          %dma_start3A_115 = arith.constant 0 : i32
          %dma_start3A_116 = tpu.memref_slice %arg2[%dma_start3A_114, %dma_start3A_115] : memref<10000x128xf32, #tpu.memory_space<hbm>> -> memref<10000x128xf32, #tpu.memory_space<hbm>>
          tpu.enqueue_indirect_dma source(%dma_start3A_116 : memref<10000x128xf32, #tpu.memory_space<hbm>>) target(%arg9 : memref<128x128xf32, #tpu.memory_space<vmem>>) offsets(%dma_start3A_113 : memref<128xi32, #tpu.memory_space<vmem>>) semaphore(%arg15 : memref<!tpu.dma_semaphore, #tpu.memory_space<semaphore_mem>>)
        } else {
        }
        %dma_wait3A = arith.constant 0 : i32
        %dma_wait3A_80 = arith.constant 0 : i32
        %dma_wait3A_81 = tpu.memref_slice %arg2[%dma_wait3A, %dma_wait3A_80] : memref<10000x128xf32, #tpu.memory_space<hbm>> -> memref<128x128xf32, #tpu.memory_space<hbm>>
        %dma_wait3A_82 = arith.constant 0 : i32
        %dma_wait3A_83 = arith.constant 0 : i32
        %dma_wait3A_84 = tpu.memref_slice %arg2[%dma_wait3A_82, %dma_wait3A_83] : memref<10000x128xf32, #tpu.memory_space<hbm>> -> memref<128x128xf32, #tpu.memory_space<hbm>>
        tpu.wait_dma2 semaphore(%arg14 : memref<!tpu.dma_semaphore, #tpu.memory_space<semaphore_mem>>) src(%dma_wait3A_84 : memref<128x128xf32, #tpu.memory_space<hbm>>) dst(%arg8 : memref<128x128xf32, #tpu.memory_space<vmem>>)
        %dma_start3A_85 = arith.constant 1 : i32
        %dma_start3A_86 = arith.constant 0 : i32
        %dma_start3A_87 = tpu.memref_slice %arg6[%dma_start3A_85, %dma_start3A_86] : memref<2x128xi32, #tpu.memory_space<vmem>> -> memref<1x128xi32, #tpu.memory_space<vmem>>
        %dma_start3A_88 = tpu.memref_squeeze %dma_start3A_87 : memref<1x128xi32, #tpu.memory_space<vmem>> -> memref<128xi32, #tpu.memory_space<vmem>>
        %dma_start3A_89 = arith.constant 0 : i32
        %dma_start3A_90 = tpu.memref_slice %arg13[%dma_start3A_89] : memref<10240xf32, #tpu.memory_space<vmem_shared>> -> memref<10240xf32, #tpu.memory_space<vmem_shared>>
        tpu.enqueue_indirect_dma source(%arg10 : memref<128xf32, #tpu.memory_space<vmem>>) target(%dma_start3A_90 : memref<10240xf32, #tpu.memory_space<vmem_shared>>) offsets(%dma_start3A_88 : memref<128xi32, #tpu.memory_space<vmem>>) semaphore(%arg18 : memref<!tpu.dma_semaphore, #tpu.memory_space<semaphore_mem>>) {add = true}
        %run_scoped3A = arith.constant 1 : i32
        "tpu.region"() ({
          %run_scoped3A_101 = tpu.sem_alloc : memref<!tpu.dma_semaphore, #tpu.memory_space<semaphore_mem>>
          %dma_start3A_102 = arith.constant 0 : i32
          %dma_start3A_103 = tpu.memref_slice %arg6[%run_scoped3A, %dma_start3A_102] : memref<2x128xi32, #tpu.memory_space<vmem>> -> memref<1x128xi32, #tpu.memory_space<vmem>>
          %dma_start3A_104 = tpu.memref_squeeze %dma_start3A_103 : memref<1x128xi32, #tpu.memory_space<vmem>> -> memref<128xi32, #tpu.memory_space<vmem>>
          %dma_start3A_105 = arith.constant 0 : i32
          %dma_start3A_106 = arith.constant 0 : i32
          %dma_start3A_107 = tpu.memref_slice %arg12[%dma_start3A_105, %dma_start3A_106] : memref<10240x128xf32, #tpu.memory_space<vmem_shared>> -> memref<10240x128xf32, #tpu.memory_space<vmem_shared>>
          tpu.enqueue_indirect_dma source(%arg8 : memref<128x128xf32, #tpu.memory_space<vmem>>) target(%dma_start3A_107 : memref<10240x128xf32, #tpu.memory_space<vmem_shared>>) offsets(%dma_start3A_104 : memref<128xi32, #tpu.memory_space<vmem>>) semaphore(%run_scoped3A_101 : memref<!tpu.dma_semaphore, #tpu.memory_space<semaphore_mem>>) {add = true}
          %dma_wait3A_108 = arith.constant 0 : i32
          %dma_wait3A_109 = tpu.memref_slice %arg6[%run_scoped3A, %dma_wait3A_108] : memref<2x128xi32, #tpu.memory_space<vmem>> -> memref<1x128xi32, #tpu.memory_space<vmem>>
          %dma_wait3A_110 = tpu.memref_squeeze %dma_wait3A_109 : memref<1x128xi32, #tpu.memory_space<vmem>> -> memref<128xi32, #tpu.memory_space<vmem>>
          %dma_wait3A_111 = arith.constant 0 : i32
          %dma_wait3A_112 = arith.constant 0 : i32
          %dma_wait3A_113 = tpu.memref_slice %arg12[%dma_wait3A_111, %dma_wait3A_112] : memref<10240x128xf32, #tpu.memory_space<vmem_shared>> -> memref<10240x128xf32, #tpu.memory_space<vmem_shared>>
          tpu.wait_indirect_dma semaphore(%run_scoped3A_101 : memref<!tpu.dma_semaphore, #tpu.memory_space<semaphore_mem>>) src(%arg8 : memref<128x128xf32, #tpu.memory_space<vmem>>) dst(%dma_wait3A_113 : memref<10240x128xf32, #tpu.memory_space<vmem_shared>>)
          tpu.yield
        }) : () -> ()
        %dma_wait3A_91 = arith.constant 0 : i32
        %dma_wait3A_92 = tpu.memref_slice %arg13[%dma_wait3A_91] : memref<10240xf32, #tpu.memory_space<vmem_shared>> -> memref<128xf32, #tpu.memory_space<vmem_shared>>
        %dma_wait3A_93 = arith.constant 0 : i32
        %dma_wait3A_94 = tpu.memref_slice %arg13[%dma_wait3A_93] : memref<10240xf32, #tpu.memory_space<vmem_shared>> -> memref<128xf32, #tpu.memory_space<vmem_shared>>
        tpu.wait_dma2 semaphore(%arg18 : memref<!tpu.dma_semaphore, #tpu.memory_space<semaphore_mem>>) src(%arg10 : memref<128xf32, #tpu.memory_space<vmem>>) dst(%dma_wait3A_94 : memref<128xf32, #tpu.memory_space<vmem_shared>>)
        %add3A_95 = arith.constant 32 : i32
        %add3A_96 = arith.addi %add3A_66, %add3A_95 : i32
        %lt3A_97 = arith.cmpi slt, %add3A_96, %mul3A_30 : i32
        %convert_element_type3A_98 = arith.extui %lt3A_97 : i1 to i32
        %cond3A_99 = arith.constant 0 : i32
        %cond3A_100 = arith.cmpi ne, %convert_element_type3A_98, %cond3A_99 : i32
        scf.if %cond3A_100 {
          %add3A_101 = arith.constant 32 : i32
          %add3A_102 = arith.addi %add3A_66, %add3A_101 : i32
          %dma_start3A_103 = arith.constant 0 : i32
          %dma_start3A_104 = arith.constant 0 : i32
          %dma_start3A_105 = tpu.memref_slice %arg3[%add3A_102, %dma_start3A_103, %dma_start3A_104] : memref<2500x2x128xi32, #tpu.memory_space<hbm>> -> memref<1x2x128xi32, #tpu.memory_space<hbm>>
          %dma_start3A_106 = tpu.memref_squeeze %dma_start3A_105 : memref<1x2x128xi32, #tpu.memory_space<hbm>> -> memref<2x128xi32, #tpu.memory_space<hbm>>
          %dma_start3A_107 = arith.constant 0 : i32
          %dma_start3A_108 = arith.constant 0 : i32
          %dma_start3A_109 = tpu.memref_slice %arg3[%add3A_102, %dma_start3A_107, %dma_start3A_108] : memref<2500x2x128xi32, #tpu.memory_space<hbm>> -> memref<1x2x128xi32, #tpu.memory_space<hbm>>
          %dma_start3A_110 = tpu.memref_squeeze %dma_start3A_109 : memref<1x2x128xi32, #tpu.memory_space<hbm>> -> memref<2x128xi32, #tpu.memory_space<hbm>>
          tpu.enqueue_dma source(%dma_start3A_110 : memref<2x128xi32, #tpu.memory_space<hbm>>) target(%arg6 : memref<2x128xi32, #tpu.memory_space<vmem>>) target_semaphore(%arg16 : memref<!tpu.dma_semaphore, #tpu.memory_space<semaphore_mem>>)
        } else {
        }
      } else {
      }
      %add3A_68 = arith.constant 16 : i32
      %add3A_69 = arith.addi %add3A_64, %add3A_68 : i32
      %lt3A_70 = arith.cmpi slt, %add3A_69, %mul3A_30 : i32
      %convert_element_type3A_71 = arith.extui %lt3A_70 : i1 to i32
      %cond3A_72 = arith.constant 0 : i32
      %cond3A_73 = arith.cmpi ne, %convert_element_type3A_71, %cond3A_72 : i32
      scf.if %cond3A_73 {
        %add3A_74 = arith.constant 16 : i32
        %add3A_75 = arith.addi %add3A_69, %add3A_74 : i32
        %lt3A_76 = arith.cmpi slt, %add3A_75, %mul3A_30 : i32
        %convert_element_type3A_77 = arith.extui %lt3A_76 : i1 to i32
        %cond3A_78 = arith.constant 0 : i32
        %cond3A_79 = arith.cmpi ne, %convert_element_type3A_77, %cond3A_78 : i32
        scf.if %cond3A_79 {
          %dma_wait3A_101 = arith.constant 0 : i32
          %dma_wait3A_102 = arith.constant 0 : i32
          %dma_wait3A_103 = arith.constant 0 : i32
          %dma_wait3A_104 = tpu.memref_slice %arg3[%dma_wait3A_101, %dma_wait3A_102, %dma_wait3A_103] : memref<2500x2x128xi32, #tpu.memory_space<hbm>> -> memref<1x2x128xi32, #tpu.memory_space<hbm>>
          %dma_wait3A_105 = tpu.memref_squeeze %dma_wait3A_104 : memref<1x2x128xi32, #tpu.memory_space<hbm>> -> memref<2x128xi32, #tpu.memory_space<hbm>>
          %dma_wait3A_106 = arith.constant 0 : i32
          %dma_wait3A_107 = arith.constant 0 : i32
          %dma_wait3A_108 = tpu.memref_slice %arg3[%dma_wait3A_101, %dma_wait3A_106, %dma_wait3A_107] : memref<2500x2x128xi32, #tpu.memory_space<hbm>> -> memref<1x2x128xi32, #tpu.memory_space<hbm>>
          %dma_wait3A_109 = tpu.memref_squeeze %dma_wait3A_108 : memref<1x2x128xi32, #tpu.memory_space<hbm>> -> memref<2x128xi32, #tpu.memory_space<hbm>>
          tpu.wait_dma2 semaphore(%arg16 : memref<!tpu.dma_semaphore, #tpu.memory_space<semaphore_mem>>) src(%dma_wait3A_109 : memref<2x128xi32, #tpu.memory_space<hbm>>) dst(%arg6 : memref<2x128xi32, #tpu.memory_space<vmem>>)
          %dma_start3A_110 = arith.constant 0 : i32
          %dma_start3A_111 = arith.constant 0 : i32
          %dma_start3A_112 = tpu.memref_slice %arg6[%dma_start3A_110, %dma_start3A_111] : memref<2x128xi32, #tpu.memory_space<vmem>> -> memref<1x128xi32, #tpu.memory_space<vmem>>
          %dma_start3A_113 = tpu.memref_squeeze %dma_start3A_112 : memref<1x128xi32, #tpu.memory_space<vmem>> -> memref<128xi32, #tpu.memory_space<vmem>>
          %dma_start3A_114 = arith.constant 0 : i32
          %dma_start3A_115 = arith.constant 0 : i32
          %dma_start3A_116 = tpu.memref_slice %arg2[%dma_start3A_114, %dma_start3A_115] : memref<10000x128xf32, #tpu.memory_space<hbm>> -> memref<10000x128xf32, #tpu.memory_space<hbm>>
          tpu.enqueue_indirect_dma source(%dma_start3A_116 : memref<10000x128xf32, #tpu.memory_space<hbm>>) target(%arg8 : memref<128x128xf32, #tpu.memory_space<vmem>>) offsets(%dma_start3A_113 : memref<128xi32, #tpu.memory_space<vmem>>) semaphore(%arg14 : memref<!tpu.dma_semaphore, #tpu.memory_space<semaphore_mem>>)
        } else {
        }
        %dma_wait3A = arith.constant 0 : i32
        %dma_wait3A_80 = arith.constant 0 : i32
        %dma_wait3A_81 = tpu.memref_slice %arg2[%dma_wait3A, %dma_wait3A_80] : memref<10000x128xf32, #tpu.memory_space<hbm>> -> memref<128x128xf32, #tpu.memory_space<hbm>>
        %dma_wait3A_82 = arith.constant 0 : i32
        %dma_wait3A_83 = arith.constant 0 : i32
        %dma_wait3A_84 = tpu.memref_slice %arg2[%dma_wait3A_82, %dma_wait3A_83] : memref<10000x128xf32, #tpu.memory_space<hbm>> -> memref<128x128xf32, #tpu.memory_space<hbm>>
        tpu.wait_dma2 semaphore(%arg15 : memref<!tpu.dma_semaphore, #tpu.memory_space<semaphore_mem>>) src(%dma_wait3A_84 : memref<128x128xf32, #tpu.memory_space<hbm>>) dst(%arg9 : memref<128x128xf32, #tpu.memory_space<vmem>>)
        %dma_start3A_85 = arith.constant 1 : i32
        %dma_start3A_86 = arith.constant 0 : i32
        %dma_start3A_87 = tpu.memref_slice %arg7[%dma_start3A_85, %dma_start3A_86] : memref<2x128xi32, #tpu.memory_space<vmem>> -> memref<1x128xi32, #tpu.memory_space<vmem>>
        %dma_start3A_88 = tpu.memref_squeeze %dma_start3A_87 : memref<1x128xi32, #tpu.memory_space<vmem>> -> memref<128xi32, #tpu.memory_space<vmem>>
        %dma_start3A_89 = arith.constant 0 : i32
        %dma_start3A_90 = tpu.memref_slice %arg13[%dma_start3A_89] : memref<10240xf32, #tpu.memory_space<vmem_shared>> -> memref<10240xf32, #tpu.memory_space<vmem_shared>>
        tpu.enqueue_indirect_dma source(%arg10 : memref<128xf32, #tpu.memory_space<vmem>>) target(%dma_start3A_90 : memref<10240xf32, #tpu.memory_space<vmem_shared>>) offsets(%dma_start3A_88 : memref<128xi32, #tpu.memory_space<vmem>>) semaphore(%arg18 : memref<!tpu.dma_semaphore, #tpu.memory_space<semaphore_mem>>) {add = true}
        %run_scoped3A = arith.constant 1 : i32
        "tpu.region"() ({
          %run_scoped3A_101 = tpu.sem_alloc : memref<!tpu.dma_semaphore, #tpu.memory_space<semaphore_mem>>
          %dma_start3A_102 = arith.constant 0 : i32
          %dma_start3A_103 = tpu.memref_slice %arg7[%run_scoped3A, %dma_start3A_102] : memref<2x128xi32, #tpu.memory_space<vmem>> -> memref<1x128xi32, #tpu.memory_space<vmem>>
          %dma_start3A_104 = tpu.memref_squeeze %dma_start3A_103 : memref<1x128xi32, #tpu.memory_space<vmem>> -> memref<128xi32, #tpu.memory_space<vmem>>
          %dma_start3A_105 = arith.constant 0 : i32
          %dma_start3A_106 = arith.constant 0 : i32
          %dma_start3A_107 = tpu.memref_slice %arg12[%dma_start3A_105, %dma_start3A_106] : memref<10240x128xf32, #tpu.memory_space<vmem_shared>> -> memref<10240x128xf32, #tpu.memory_space<vmem_shared>>
          tpu.enqueue_indirect_dma source(%arg9 : memref<128x128xf32, #tpu.memory_space<vmem>>) target(%dma_start3A_107 : memref<10240x128xf32, #tpu.memory_space<vmem_shared>>) offsets(%dma_start3A_104 : memref<128xi32, #tpu.memory_space<vmem>>) semaphore(%run_scoped3A_101 : memref<!tpu.dma_semaphore, #tpu.memory_space<semaphore_mem>>) {add = true}
          %dma_wait3A_108 = arith.constant 0 : i32
          %dma_wait3A_109 = tpu.memref_slice %arg7[%run_scoped3A, %dma_wait3A_108] : memref<2x128xi32, #tpu.memory_space<vmem>> -> memref<1x128xi32, #tpu.memory_space<vmem>>
          %dma_wait3A_110 = tpu.memref_squeeze %dma_wait3A_109 : memref<1x128xi32, #tpu.memory_space<vmem>> -> memref<128xi32, #tpu.memory_space<vmem>>
          %dma_wait3A_111 = arith.constant 0 : i32
          %dma_wait3A_112 = arith.constant 0 : i32
          %dma_wait3A_113 = tpu.memref_slice %arg12[%dma_wait3A_111, %dma_wait3A_112] : memref<10240x128xf32, #tpu.memory_space<vmem_shared>> -> memref<10240x128xf32, #tpu.memory_space<vmem_shared>>
          tpu.wait_indirect_dma semaphore(%run_scoped3A_101 : memref<!tpu.dma_semaphore, #tpu.memory_space<semaphore_mem>>) src(%arg9 : memref<128x128xf32, #tpu.memory_space<vmem>>) dst(%dma_wait3A_113 : memref<10240x128xf32, #tpu.memory_space<vmem_shared>>)
          tpu.yield
        }) : () -> ()
        %dma_wait3A_91 = arith.constant 0 : i32
        %dma_wait3A_92 = tpu.memref_slice %arg13[%dma_wait3A_91] : memref<10240xf32, #tpu.memory_space<vmem_shared>> -> memref<128xf32, #tpu.memory_space<vmem_shared>>
        %dma_wait3A_93 = arith.constant 0 : i32
        %dma_wait3A_94 = tpu.memref_slice %arg13[%dma_wait3A_93] : memref<10240xf32, #tpu.memory_space<vmem_shared>> -> memref<128xf32, #tpu.memory_space<vmem_shared>>
        tpu.wait_dma2 semaphore(%arg18 : memref<!tpu.dma_semaphore, #tpu.memory_space<semaphore_mem>>) src(%arg10 : memref<128xf32, #tpu.memory_space<vmem>>) dst(%dma_wait3A_94 : memref<128xf32, #tpu.memory_space<vmem_shared>>)
        %add3A_95 = arith.constant 32 : i32
        %add3A_96 = arith.addi %add3A_69, %add3A_95 : i32
        %lt3A_97 = arith.cmpi slt, %add3A_96, %mul3A_30 : i32
        %convert_element_type3A_98 = arith.extui %lt3A_97 : i1 to i32
        %cond3A_99 = arith.constant 0 : i32
        %cond3A_100 = arith.cmpi ne, %convert_element_type3A_98, %cond3A_99 : i32
        scf.if %cond3A_100 {
          %add3A_101 = arith.constant 32 : i32
          %add3A_102 = arith.addi %add3A_69, %add3A_101 : i32
          %dma_start3A_103 = arith.constant 0 : i32
          %dma_start3A_104 = arith.constant 0 : i32
          %dma_start3A_105 = tpu.memref_slice %arg3[%add3A_102, %dma_start3A_103, %dma_start3A_104] : memref<2500x2x128xi32, #tpu.memory_space<hbm>> -> memref<1x2x128xi32, #tpu.memory_space<hbm>>
          %dma_start3A_106 = tpu.memref_squeeze %dma_start3A_105 : memref<1x2x128xi32, #tpu.memory_space<hbm>> -> memref<2x128xi32, #tpu.memory_space<hbm>>
          %dma_start3A_107 = arith.constant 0 : i32
          %dma_start3A_108 = arith.constant 0 : i32
          %dma_start3A_109 = tpu.memref_slice %arg3[%add3A_102, %dma_start3A_107, %dma_start3A_108] : memref<2500x2x128xi32, #tpu.memory_space<hbm>> -> memref<1x2x128xi32, #tpu.memory_space<hbm>>
          %dma_start3A_110 = tpu.memref_squeeze %dma_start3A_109 : memref<1x2x128xi32, #tpu.memory_space<hbm>> -> memref<2x128xi32, #tpu.memory_space<hbm>>
          tpu.enqueue_dma source(%dma_start3A_110 : memref<2x128xi32, #tpu.memory_space<hbm>>) target(%arg7 : memref<2x128xi32, #tpu.memory_space<vmem>>) target_semaphore(%arg17 : memref<!tpu.dma_semaphore, #tpu.memory_space<semaphore_mem>>)
        } else {
        }
      } else {
      }
    }
    %while3A_60 = arith.constant 1 : i32
    scf.for %while3A_62 = %while3A_58 to %while3A_54 step %while3A_60  : i32 {
      %mul3A_63 = arith.muli %while3A_62, %while3A : i32
      %add3A_64 = arith.addi %add3A_26, %mul3A_63 : i32
      %add3A_65 = arith.constant 0 : i32
      %add3A_66 = arith.addi %add3A_64, %add3A_65 : i32
      %lt3A = arith.cmpi slt, %add3A_66, %mul3A_30 : i32
      %convert_element_type3A = arith.extui %lt3A : i1 to i32
      %cond3A = arith.constant 0 : i32
      %cond3A_67 = arith.cmpi ne, %convert_element_type3A, %cond3A : i32
      scf.if %cond3A_67 {
        %add3A_74 = arith.constant 16 : i32
        %add3A_75 = arith.addi %add3A_66, %add3A_74 : i32
        %lt3A_76 = arith.cmpi slt, %add3A_75, %mul3A_30 : i32
        %convert_element_type3A_77 = arith.extui %lt3A_76 : i1 to i32
        %cond3A_78 = arith.constant 0 : i32
        %cond3A_79 = arith.cmpi ne, %convert_element_type3A_77, %cond3A_78 : i32
        scf.if %cond3A_79 {
          %dma_wait3A_101 = arith.constant 0 : i32
          %dma_wait3A_102 = arith.constant 0 : i32
          %dma_wait3A_103 = arith.constant 0 : i32
          %dma_wait3A_104 = tpu.memref_slice %arg3[%dma_wait3A_101, %dma_wait3A_102, %dma_wait3A_103] : memref<2500x2x128xi32, #tpu.memory_space<hbm>> -> memref<1x2x128xi32, #tpu.memory_space<hbm>>
          %dma_wait3A_105 = tpu.memref_squeeze %dma_wait3A_104 : memref<1x2x128xi32, #tpu.memory_space<hbm>> -> memref<2x128xi32, #tpu.memory_space<hbm>>
          %dma_wait3A_106 = arith.constant 0 : i32
          %dma_wait3A_107 = arith.constant 0 : i32
          %dma_wait3A_108 = tpu.memref_slice %arg3[%dma_wait3A_101, %dma_wait3A_106, %dma_wait3A_107] : memref<2500x2x128xi32, #tpu.memory_space<hbm>> -> memref<1x2x128xi32, #tpu.memory_space<hbm>>
          %dma_wait3A_109 = tpu.memref_squeeze %dma_wait3A_108 : memref<1x2x128xi32, #tpu.memory_space<hbm>> -> memref<2x128xi32, #tpu.memory_space<hbm>>
          tpu.wait_dma2 semaphore(%arg17 : memref<!tpu.dma_semaphore, #tpu.memory_space<semaphore_mem>>) src(%dma_wait3A_109 : memref<2x128xi32, #tpu.memory_space<hbm>>) dst(%arg7 : memref<2x128xi32, #tpu.memory_space<vmem>>)
          %dma_start3A_110 = arith.constant 0 : i32
          %dma_start3A_111 = arith.constant 0 : i32
          %dma_start3A_112 = tpu.memref_slice %arg7[%dma_start3A_110, %dma_start3A_111] : memref<2x128xi32, #tpu.memory_space<vmem>> -> memref<1x128xi32, #tpu.memory_space<vmem>>
          %dma_start3A_113 = tpu.memref_squeeze %dma_start3A_112 : memref<1x128xi32, #tpu.memory_space<vmem>> -> memref<128xi32, #tpu.memory_space<vmem>>
          %dma_start3A_114 = arith.constant 0 : i32
          %dma_start3A_115 = arith.constant 0 : i32
          %dma_start3A_116 = tpu.memref_slice %arg2[%dma_start3A_114, %dma_start3A_115] : memref<10000x128xf32, #tpu.memory_space<hbm>> -> memref<10000x128xf32, #tpu.memory_space<hbm>>
          tpu.enqueue_indirect_dma source(%dma_start3A_116 : memref<10000x128xf32, #tpu.memory_space<hbm>>) target(%arg9 : memref<128x128xf32, #tpu.memory_space<vmem>>) offsets(%dma_start3A_113 : memref<128xi32, #tpu.memory_space<vmem>>) semaphore(%arg15 : memref<!tpu.dma_semaphore, #tpu.memory_space<semaphore_mem>>)
        } else {
        }
        %dma_wait3A = arith.constant 0 : i32
        %dma_wait3A_80 = arith.constant 0 : i32
        %dma_wait3A_81 = tpu.memref_slice %arg2[%dma_wait3A, %dma_wait3A_80] : memref<10000x128xf32, #tpu.memory_space<hbm>> -> memref<128x128xf32, #tpu.memory_space<hbm>>
        %dma_wait3A_82 = arith.constant 0 : i32
        %dma_wait3A_83 = arith.constant 0 : i32
        %dma_wait3A_84 = tpu.memref_slice %arg2[%dma_wait3A_82, %dma_wait3A_83] : memref<10000x128xf32, #tpu.memory_space<hbm>> -> memref<128x128xf32, #tpu.memory_space<hbm>>
        tpu.wait_dma2 semaphore(%arg14 : memref<!tpu.dma_semaphore, #tpu.memory_space<semaphore_mem>>) src(%dma_wait3A_84 : memref<128x128xf32, #tpu.memory_space<hbm>>) dst(%arg8 : memref<128x128xf32, #tpu.memory_space<vmem>>)
        %dma_start3A_85 = arith.constant 1 : i32
        %dma_start3A_86 = arith.constant 0 : i32
        %dma_start3A_87 = tpu.memref_slice %arg6[%dma_start3A_85, %dma_start3A_86] : memref<2x128xi32, #tpu.memory_space<vmem>> -> memref<1x128xi32, #tpu.memory_space<vmem>>
        %dma_start3A_88 = tpu.memref_squeeze %dma_start3A_87 : memref<1x128xi32, #tpu.memory_space<vmem>> -> memref<128xi32, #tpu.memory_space<vmem>>
        %dma_start3A_89 = arith.constant 0 : i32
        %dma_start3A_90 = tpu.memref_slice %arg13[%dma_start3A_89] : memref<10240xf32, #tpu.memory_space<vmem_shared>> -> memref<10240xf32, #tpu.memory_space<vmem_shared>>
        tpu.enqueue_indirect_dma source(%arg10 : memref<128xf32, #tpu.memory_space<vmem>>) target(%dma_start3A_90 : memref<10240xf32, #tpu.memory_space<vmem_shared>>) offsets(%dma_start3A_88 : memref<128xi32, #tpu.memory_space<vmem>>) semaphore(%arg18 : memref<!tpu.dma_semaphore, #tpu.memory_space<semaphore_mem>>) {add = true}
        %run_scoped3A = arith.constant 1 : i32
        "tpu.region"() ({
          %run_scoped3A_101 = tpu.sem_alloc : memref<!tpu.dma_semaphore, #tpu.memory_space<semaphore_mem>>
          %dma_start3A_102 = arith.constant 0 : i32
          %dma_start3A_103 = tpu.memref_slice %arg6[%run_scoped3A, %dma_start3A_102] : memref<2x128xi32, #tpu.memory_space<vmem>> -> memref<1x128xi32, #tpu.memory_space<vmem>>
          %dma_start3A_104 = tpu.memref_squeeze %dma_start3A_103 : memref<1x128xi32, #tpu.memory_space<vmem>> -> memref<128xi32, #tpu.memory_space<vmem>>
          %dma_start3A_105 = arith.constant 0 : i32
          %dma_start3A_106 = arith.constant 0 : i32
          %dma_start3A_107 = tpu.memref_slice %arg12[%dma_start3A_105, %dma_start3A_106] : memref<10240x128xf32, #tpu.memory_space<vmem_shared>> -> memref<10240x128xf32, #tpu.memory_space<vmem_shared>>
          tpu.enqueue_indirect_dma source(%arg8 : memref<128x128xf32, #tpu.memory_space<vmem>>) target(%dma_start3A_107 : memref<10240x128xf32, #tpu.memory_space<vmem_shared>>) offsets(%dma_start3A_104 : memref<128xi32, #tpu.memory_space<vmem>>) semaphore(%run_scoped3A_101 : memref<!tpu.dma_semaphore, #tpu.memory_space<semaphore_mem>>) {add = true}
          %dma_wait3A_108 = arith.constant 0 : i32
          %dma_wait3A_109 = tpu.memref_slice %arg6[%run_scoped3A, %dma_wait3A_108] : memref<2x128xi32, #tpu.memory_space<vmem>> -> memref<1x128xi32, #tpu.memory_space<vmem>>
          %dma_wait3A_110 = tpu.memref_squeeze %dma_wait3A_109 : memref<1x128xi32, #tpu.memory_space<vmem>> -> memref<128xi32, #tpu.memory_space<vmem>>
          %dma_wait3A_111 = arith.constant 0 : i32
          %dma_wait3A_112 = arith.constant 0 : i32
          %dma_wait3A_113 = tpu.memref_slice %arg12[%dma_wait3A_111, %dma_wait3A_112] : memref<10240x128xf32, #tpu.memory_space<vmem_shared>> -> memref<10240x128xf32, #tpu.memory_space<vmem_shared>>
          tpu.wait_indirect_dma semaphore(%run_scoped3A_101 : memref<!tpu.dma_semaphore, #tpu.memory_space<semaphore_mem>>) src(%arg8 : memref<128x128xf32, #tpu.memory_space<vmem>>) dst(%dma_wait3A_113 : memref<10240x128xf32, #tpu.memory_space<vmem_shared>>)
          tpu.yield
        }) : () -> ()
        %dma_wait3A_91 = arith.constant 0 : i32
        %dma_wait3A_92 = tpu.memref_slice %arg13[%dma_wait3A_91] : memref<10240xf32, #tpu.memory_space<vmem_shared>> -> memref<128xf32, #tpu.memory_space<vmem_shared>>
        %dma_wait3A_93 = arith.constant 0 : i32
        %dma_wait3A_94 = tpu.memref_slice %arg13[%dma_wait3A_93] : memref<10240xf32, #tpu.memory_space<vmem_shared>> -> memref<128xf32, #tpu.memory_space<vmem_shared>>
        tpu.wait_dma2 semaphore(%arg18 : memref<!tpu.dma_semaphore, #tpu.memory_space<semaphore_mem>>) src(%arg10 : memref<128xf32, #tpu.memory_space<vmem>>) dst(%dma_wait3A_94 : memref<128xf32, #tpu.memory_space<vmem_shared>>)
        %add3A_95 = arith.constant 32 : i32
        %add3A_96 = arith.addi %add3A_66, %add3A_95 : i32
        %lt3A_97 = arith.cmpi slt, %add3A_96, %mul3A_30 : i32
        %convert_element_type3A_98 = arith.extui %lt3A_97 : i1 to i32
        %cond3A_99 = arith.constant 0 : i32
        %cond3A_100 = arith.cmpi ne, %convert_element_type3A_98, %cond3A_99 : i32
        scf.if %cond3A_100 {
          %add3A_101 = arith.constant 32 : i32
          %add3A_102 = arith.addi %add3A_66, %add3A_101 : i32
          %dma_start3A_103 = arith.constant 0 : i32
          %dma_start3A_104 = arith.constant 0 : i32
          %dma_start3A_105 = tpu.memref_slice %arg3[%add3A_102, %dma_start3A_103, %dma_start3A_104] : memref<2500x2x128xi32, #tpu.memory_space<hbm>> -> memref<1x2x128xi32, #tpu.memory_space<hbm>>
          %dma_start3A_106 = tpu.memref_squeeze %dma_start3A_105 : memref<1x2x128xi32, #tpu.memory_space<hbm>> -> memref<2x128xi32, #tpu.memory_space<hbm>>
          %dma_start3A_107 = arith.constant 0 : i32
          %dma_start3A_108 = arith.constant 0 : i32
          %dma_start3A_109 = tpu.memref_slice %arg3[%add3A_102, %dma_start3A_107, %dma_start3A_108] : memref<2500x2x128xi32, #tpu.memory_space<hbm>> -> memref<1x2x128xi32, #tpu.memory_space<hbm>>
          %dma_start3A_110 = tpu.memref_squeeze %dma_start3A_109 : memref<1x2x128xi32, #tpu.memory_space<hbm>> -> memref<2x128xi32, #tpu.memory_space<hbm>>
          tpu.enqueue_dma source(%dma_start3A_110 : memref<2x128xi32, #tpu.memory_space<hbm>>) target(%arg6 : memref<2x128xi32, #tpu.memory_space<vmem>>) target_semaphore(%arg16 : memref<!tpu.dma_semaphore, #tpu.memory_space<semaphore_mem>>)
        } else {
        }
      } else {
      }
      %add3A_68 = arith.constant 16 : i32
      %add3A_69 = arith.addi %add3A_64, %add3A_68 : i32
      %lt3A_70 = arith.cmpi slt, %add3A_69, %mul3A_30 : i32
      %convert_element_type3A_71 = arith.extui %lt3A_70 : i1 to i32
      %cond3A_72 = arith.constant 0 : i32
      %cond3A_73 = arith.cmpi ne, %convert_element_type3A_71, %cond3A_72 : i32
      scf.if %cond3A_73 {
        %add3A_74 = arith.constant 16 : i32
        %add3A_75 = arith.addi %add3A_69, %add3A_74 : i32
        %lt3A_76 = arith.cmpi slt, %add3A_75, %mul3A_30 : i32
        %convert_element_type3A_77 = arith.extui %lt3A_76 : i1 to i32
        %cond3A_78 = arith.constant 0 : i32
        %cond3A_79 = arith.cmpi ne, %convert_element_type3A_77, %cond3A_78 : i32
        scf.if %cond3A_79 {
          %dma_wait3A_101 = arith.constant 0 : i32
          %dma_wait3A_102 = arith.constant 0 : i32
          %dma_wait3A_103 = arith.constant 0 : i32
          %dma_wait3A_104 = tpu.memref_slice %arg3[%dma_wait3A_101, %dma_wait3A_102, %dma_wait3A_103] : memref<2500x2x128xi32, #tpu.memory_space<hbm>> -> memref<1x2x128xi32, #tpu.memory_space<hbm>>
          %dma_wait3A_105 = tpu.memref_squeeze %dma_wait3A_104 : memref<1x2x128xi32, #tpu.memory_space<hbm>> -> memref<2x128xi32, #tpu.memory_space<hbm>>
          %dma_wait3A_106 = arith.constant 0 : i32
          %dma_wait3A_107 = arith.constant 0 : i32
          %dma_wait3A_108 = tpu.memref_slice %arg3[%dma_wait3A_101, %dma_wait3A_106, %dma_wait3A_107] : memref<2500x2x128xi32, #tpu.memory_space<hbm>> -> memref<1x2x128xi32, #tpu.memory_space<hbm>>
          %dma_wait3A_109 = tpu.memref_squeeze %dma_wait3A_108 : memref<1x2x128xi32, #tpu.memory_space<hbm>> -> memref<2x128xi32, #tpu.memory_space<hbm>>
          tpu.wait_dma2 semaphore(%arg16 : memref<!tpu.dma_semaphore, #tpu.memory_space<semaphore_mem>>) src(%dma_wait3A_109 : memref<2x128xi32, #tpu.memory_space<hbm>>) dst(%arg6 : memref<2x128xi32, #tpu.memory_space<vmem>>)
          %dma_start3A_110 = arith.constant 0 : i32
          %dma_start3A_111 = arith.constant 0 : i32
          %dma_start3A_112 = tpu.memref_slice %arg6[%dma_start3A_110, %dma_start3A_111] : memref<2x128xi32, #tpu.memory_space<vmem>> -> memref<1x128xi32, #tpu.memory_space<vmem>>
          %dma_start3A_113 = tpu.memref_squeeze %dma_start3A_112 : memref<1x128xi32, #tpu.memory_space<vmem>> -> memref<128xi32, #tpu.memory_space<vmem>>
          %dma_start3A_114 = arith.constant 0 : i32
          %dma_start3A_115 = arith.constant 0 : i32
          %dma_start3A_116 = tpu.memref_slice %arg2[%dma_start3A_114, %dma_start3A_115] : memref<10000x128xf32, #tpu.memory_space<hbm>> -> memref<10000x128xf32, #tpu.memory_space<hbm>>
          tpu.enqueue_indirect_dma source(%dma_start3A_116 : memref<10000x128xf32, #tpu.memory_space<hbm>>) target(%arg8 : memref<128x128xf32, #tpu.memory_space<vmem>>) offsets(%dma_start3A_113 : memref<128xi32, #tpu.memory_space<vmem>>) semaphore(%arg14 : memref<!tpu.dma_semaphore, #tpu.memory_space<semaphore_mem>>)
        } else {
        }
        %dma_wait3A = arith.constant 0 : i32
        %dma_wait3A_80 = arith.constant 0 : i32
        %dma_wait3A_81 = tpu.memref_slice %arg2[%dma_wait3A, %dma_wait3A_80] : memref<10000x128xf32, #tpu.memory_space<hbm>> -> memref<128x128xf32, #tpu.memory_space<hbm>>
        %dma_wait3A_82 = arith.constant 0 : i32
        %dma_wait3A_83 = arith.constant 0 : i32
        %dma_wait3A_84 = tpu.memref_slice %arg2[%dma_wait3A_82, %dma_wait3A_83] : memref<10000x128xf32, #tpu.memory_space<hbm>> -> memref<128x128xf32, #tpu.memory_space<hbm>>
        tpu.wait_dma2 semaphore(%arg15 : memref<!tpu.dma_semaphore, #tpu.memory_space<semaphore_mem>>) src(%dma_wait3A_84 : memref<128x128xf32, #tpu.memory_space<hbm>>) dst(%arg9 : memref<128x128xf32, #tpu.memory_space<vmem>>)
        %dma_start3A_85 = arith.constant 1 : i32
        %dma_start3A_86 = arith.constant 0 : i32
        %dma_start3A_87 = tpu.memref_slice %arg7[%dma_start3A_85, %dma_start3A_86] : memref<2x128xi32, #tpu.memory_space<vmem>> -> memref<1x128xi32, #tpu.memory_space<vmem>>
        %dma_start3A_88 = tpu.memref_squeeze %dma_start3A_87 : memref<1x128xi32, #tpu.memory_space<vmem>> -> memref<128xi32, #tpu.memory_space<vmem>>
        %dma_start3A_89 = arith.constant 0 : i32
        %dma_start3A_90 = tpu.memref_slice %arg13[%dma_start3A_89] : memref<10240xf32, #tpu.memory_space<vmem_shared>> -> memref<10240xf32, #tpu.memory_space<vmem_shared>>
        tpu.enqueue_indirect_dma source(%arg10 : memref<128xf32, #tpu.memory_space<vmem>>) target(%dma_start3A_90 : memref<10240xf32, #tpu.memory_space<vmem_shared>>) offsets(%dma_start3A_88 : memref<128xi32, #tpu.memory_space<vmem>>) semaphore(%arg18 : memref<!tpu.dma_semaphore, #tpu.memory_space<semaphore_mem>>) {add = true}
        %run_scoped3A = arith.constant 1 : i32
        "tpu.region"() ({
          %run_scoped3A_101 = tpu.sem_alloc : memref<!tpu.dma_semaphore, #tpu.memory_space<semaphore_mem>>
          %dma_start3A_102 = arith.constant 0 : i32
          %dma_start3A_103 = tpu.memref_slice %arg7[%run_scoped3A, %dma_start3A_102] : memref<2x128xi32, #tpu.memory_space<vmem>> -> memref<1x128xi32, #tpu.memory_space<vmem>>
          %dma_start3A_104 = tpu.memref_squeeze %dma_start3A_103 : memref<1x128xi32, #tpu.memory_space<vmem>> -> memref<128xi32, #tpu.memory_space<vmem>>
          %dma_start3A_105 = arith.constant 0 : i32
          %dma_start3A_106 = arith.constant 0 : i32
          %dma_start3A_107 = tpu.memref_slice %arg12[%dma_start3A_105, %dma_start3A_106] : memref<10240x128xf32, #tpu.memory_space<vmem_shared>> -> memref<10240x128xf32, #tpu.memory_space<vmem_shared>>
          tpu.enqueue_indirect_dma source(%arg9 : memref<128x128xf32, #tpu.memory_space<vmem>>) target(%dma_start3A_107 : memref<10240x128xf32, #tpu.memory_space<vmem_shared>>) offsets(%dma_start3A_104 : memref<128xi32, #tpu.memory_space<vmem>>) semaphore(%run_scoped3A_101 : memref<!tpu.dma_semaphore, #tpu.memory_space<semaphore_mem>>) {add = true}
          %dma_wait3A_108 = arith.constant 0 : i32
          %dma_wait3A_109 = tpu.memref_slice %arg7[%run_scoped3A, %dma_wait3A_108] : memref<2x128xi32, #tpu.memory_space<vmem>> -> memref<1x128xi32, #tpu.memory_space<vmem>>
          %dma_wait3A_110 = tpu.memref_squeeze %dma_wait3A_109 : memref<1x128xi32, #tpu.memory_space<vmem>> -> memref<128xi32, #tpu.memory_space<vmem>>
          %dma_wait3A_111 = arith.constant 0 : i32
          %dma_wait3A_112 = arith.constant 0 : i32
          %dma_wait3A_113 = tpu.memref_slice %arg12[%dma_wait3A_111, %dma_wait3A_112] : memref<10240x128xf32, #tpu.memory_space<vmem_shared>> -> memref<10240x128xf32, #tpu.memory_space<vmem_shared>>
          tpu.wait_indirect_dma semaphore(%run_scoped3A_101 : memref<!tpu.dma_semaphore, #tpu.memory_space<semaphore_mem>>) src(%arg9 : memref<128x128xf32, #tpu.memory_space<vmem>>) dst(%dma_wait3A_113 : memref<10240x128xf32, #tpu.memory_space<vmem_shared>>)
          tpu.yield
        }) : () -> ()
        %dma_wait3A_91 = arith.constant 0 : i32
        %dma_wait3A_92 = tpu.memref_slice %arg13[%dma_wait3A_91] : memref<10240xf32, #tpu.memory_space<vmem_shared>> -> memref<128xf32, #tpu.memory_space<vmem_shared>>
        %dma_wait3A_93 = arith.constant 0 : i32
        %dma_wait3A_94 = tpu.memref_slice %arg13[%dma_wait3A_93] : memref<10240xf32, #tpu.memory_space<vmem_shared>> -> memref<128xf32, #tpu.memory_space<vmem_shared>>
        tpu.wait_dma2 semaphore(%arg18 : memref<!tpu.dma_semaphore, #tpu.memory_space<semaphore_mem>>) src(%arg10 : memref<128xf32, #tpu.memory_space<vmem>>) dst(%dma_wait3A_94 : memref<128xf32, #tpu.memory_space<vmem_shared>>)
        %add3A_95 = arith.constant 32 : i32
        %add3A_96 = arith.addi %add3A_69, %add3A_95 : i32
        %lt3A_97 = arith.cmpi slt, %add3A_96, %mul3A_30 : i32
        %convert_element_type3A_98 = arith.extui %lt3A_97 : i1 to i32
        %cond3A_99 = arith.constant 0 : i32
        %cond3A_100 = arith.cmpi ne, %convert_element_type3A_98, %cond3A_99 : i32
        scf.if %cond3A_100 {
          %add3A_101 = arith.constant 32 : i32
          %add3A_102 = arith.addi %add3A_69, %add3A_101 : i32
          %dma_start3A_103 = arith.constant 0 : i32
          %dma_start3A_104 = arith.constant 0 : i32
          %dma_start3A_105 = tpu.memref_slice %arg3[%add3A_102, %dma_start3A_103, %dma_start3A_104] : memref<2500x2x128xi32, #tpu.memory_space<hbm>> -> memref<1x2x128xi32, #tpu.memory_space<hbm>>
          %dma_start3A_106 = tpu.memref_squeeze %dma_start3A_105 : memref<1x2x128xi32, #tpu.memory_space<hbm>> -> memref<2x128xi32, #tpu.memory_space<hbm>>
          %dma_start3A_107 = arith.constant 0 : i32
          %dma_start3A_108 = arith.constant 0 : i32
          %dma_start3A_109 = tpu.memref_slice %arg3[%add3A_102, %dma_start3A_107, %dma_start3A_108] : memref<2500x2x128xi32, #tpu.memory_space<hbm>> -> memref<1x2x128xi32, #tpu.memory_space<hbm>>
          %dma_start3A_110 = tpu.memref_squeeze %dma_start3A_109 : memref<1x2x128xi32, #tpu.memory_space<hbm>> -> memref<2x128xi32, #tpu.memory_space<hbm>>
          tpu.enqueue_dma source(%dma_start3A_110 : memref<2x128xi32, #tpu.memory_space<hbm>>) target(%arg7 : memref<2x128xi32, #tpu.memory_space<vmem>>) target_semaphore(%arg17 : memref<!tpu.dma_semaphore, #tpu.memory_space<semaphore_mem>>)
        } else {
        }
      } else {
      }
    }
    %barrier3A_61 = arith.constant 0 : index
    tpu.barrier barrier_id(%barrier3A_61)
    "tpu.region"() ({
      %run_scoped3A = tpu.sem_alloc : memref<!tpu.dma_semaphore, #tpu.memory_space<semaphore_mem>>
      %dma_start3A_62 = arith.constant 0 : i32
      %dma_start3A_63 = tpu.memref_slice %arg4[%arg0, %mul3A_14, %dma_start3A_62] : memref<2x10240x128xf32, #tpu.memory_space<hbm>> -> memref<1x640x128xf32, #tpu.memory_space<hbm>>
      %dma_start3A_64 = tpu.memref_squeeze %dma_start3A_63 : memref<1x640x128xf32, #tpu.memory_space<hbm>> -> memref<640x128xf32, #tpu.memory_space<hbm>>
      %dma_start3A_65 = arith.constant 0 : i32
      %dma_start3A_66 = tpu.memref_slice %arg12[%mul3A_14, %dma_start3A_65] : memref<10240x128xf32, #tpu.memory_space<vmem_shared>> -> memref<640x128xf32, #tpu.memory_space<vmem_shared>>
      tpu.enqueue_dma source(%dma_start3A_66 : memref<640x128xf32, #tpu.memory_space<vmem_shared>>) target(%dma_start3A_64 : memref<640x128xf32, #tpu.memory_space<hbm>>) target_semaphore(%run_scoped3A : memref<!tpu.dma_semaphore, #tpu.memory_space<semaphore_mem>>)
      %dma_wait3A = arith.constant 0 : i32
      %dma_wait3A_67 = tpu.memref_slice %arg4[%arg0, %mul3A_14, %dma_wait3A] : memref<2x10240x128xf32, #tpu.memory_space<hbm>> -> memref<1x640x128xf32, #tpu.memory_space<hbm>>
      %dma_wait3A_68 = tpu.memref_squeeze %dma_wait3A_67 : memref<1x640x128xf32, #tpu.memory_space<hbm>> -> memref<640x128xf32, #tpu.memory_space<hbm>>
      %dma_wait3A_69 = arith.constant 0 : i32
      %dma_wait3A_70 = tpu.memref_slice %arg12[%mul3A_14, %dma_wait3A_69] : memref<10240x128xf32, #tpu.memory_space<vmem_shared>> -> memref<640x128xf32, #tpu.memory_space<vmem_shared>>
      tpu.wait_dma2 semaphore(%run_scoped3A : memref<!tpu.dma_semaphore, #tpu.memory_space<semaphore_mem>>) src(%dma_wait3A_70 : memref<640x128xf32, #tpu.memory_space<vmem_shared>>) dst(%dma_wait3A_68 : memref<640x128xf32, #tpu.memory_space<hbm>>)
      tpu.yield
    }) : () -> ()
    "tpu.region"() ({
      %run_scoped3A = tpu.sem_alloc : memref<!tpu.dma_semaphore, #tpu.memory_space<semaphore_mem>>
      %dma_start3A_62 = tpu.memref_slice %arg5[%arg0, %mul3A_14] : memref<2x10240xf32, #tpu.memory_space<hbm>> -> memref<1x640xf32, #tpu.memory_space<hbm>>
      %dma_start3A_63 = tpu.memref_squeeze %dma_start3A_62 : memref<1x640xf32, #tpu.memory_space<hbm>> -> memref<640xf32, #tpu.memory_space<hbm>>
      %dma_start3A_64 = tpu.memref_slice %arg13[%mul3A_14] : memref<10240xf32, #tpu.memory_space<vmem_shared>> -> memref<640xf32, #tpu.memory_space<vmem_shared>>
      tpu.enqueue_dma source(%dma_start3A_64 : memref<640xf32, #tpu.memory_space<vmem_shared>>) target(%dma_start3A_63 : memref<640xf32, #tpu.memory_space<hbm>>) target_semaphore(%run_scoped3A : memref<!tpu.dma_semaphore, #tpu.memory_space<semaphore_mem>>)
      %dma_wait3A = tpu.memref_slice %arg5[%arg0, %mul3A_14] : memref<2x10240xf32, #tpu.memory_space<hbm>> -> memref<1x640xf32, #tpu.memory_space<hbm>>
      %dma_wait3A_65 = tpu.memref_squeeze %dma_wait3A : memref<1x640xf32, #tpu.memory_space<hbm>> -> memref<640xf32, #tpu.memory_space<hbm>>
      %dma_wait3A_66 = tpu.memref_slice %arg13[%mul3A_14] : memref<10240xf32, #tpu.memory_space<vmem_shared>> -> memref<640xf32, #tpu.memory_space<vmem_shared>>
      tpu.wait_dma2 semaphore(%run_scoped3A : memref<!tpu.dma_semaphore, #tpu.memory_space<semaphore_mem>>) src(%dma_wait3A_66 : memref<640xf32, #tpu.memory_space<vmem_shared>>) dst(%dma_wait3A_65 : memref<640xf32, #tpu.memory_space<hbm>>)
      tpu.yield
    }) : () -> ()
    return
  }
}

module attributes {stable_mosaic.version = 14 : i64} {
  func.func @_tc_self(%arg0: i32, %arg1: memref<640x128xf32, #tpu.memory_space<vmem>>, %arg2: memref<128x128xf32, #tpu.memory_space<vmem>>, %arg3: memref<1x128xf32, #tpu.memory_space<vmem>>, %arg4: memref<640x128xf32, #tpu.memory_space<vmem>>) attributes {dimension_semantics = [#tpu.dimension_semantics<arbitrary>], iteration_bounds = array<i64: 16>, scalar_prefetch = 0 : i64, scratch_operands = 0 : i64, tpu.core_type = #tpu.core_type<tc>, window_params = [{transform_indices = @transform_0, window_bounds = array<i64: 640, 128>}, {pipeline_mode = #tpu.pipeline_mode<synchronous>, transform_indices = @transform_1, window_bounds = array<i64: 128, 128>}, {pipeline_mode = #tpu.pipeline_mode<synchronous>, transform_indices = @transform_2, window_bounds = array<i64: 1, 128>}, {transform_indices = @transform_3, window_bounds = array<i64: 640, 128>}]} {
    %get3A = arith.constant 0 : index
    %get3A_0 = arith.constant 0 : index
    %get3A_1 = vector.load %arg1[%get3A, %get3A_0] : memref<640x128xf32, #tpu.memory_space<vmem>>, vector<640x128xf32>
    %get3A_2 = arith.constant 0 : index
    %get3A_3 = arith.constant 0 : index
    %get3A_4 = vector.load %arg2[%get3A_2, %get3A_3] : memref<128x128xf32, #tpu.memory_space<vmem>>, vector<128x128xf32>
    %dot_general3A = arith.constant dense<0.000000e+00> : vector<640x128xf32>
    %dot_general3A_5 = tpu.matmul %get3A_1, %get3A_4, %dot_general3A {dimension_numbers = #tpu.dot_dimension_numbers<[1], [0], [0], [1], [0, 0, 1, 1], [], []>, transpose_lhs_hint = false} : vector<640x128xf32>, vector<128x128xf32>, vector<640x128xf32> -> vector<640x128xf32>
    %get3A_6 = arith.constant 0 : index
    %get3A_7 = arith.constant 0 : index
    %get3A_8 = vector.load %arg3[%get3A_6, %get3A_7] : memref<1x128xf32, #tpu.memory_space<vmem>>, vector<1x128xf32>
    %add3A = vector.broadcast %get3A_8 : vector<1x128xf32> to vector<640x128xf32>
    %add3A_9 = arith.addf %dot_general3A_5, %add3A : vector<640x128xf32>
    %swap3A = arith.constant 0 : index
    %swap3A_10 = arith.constant 0 : index
    %swap3A_11 = vector.load %arg4[%swap3A, %swap3A_10] : memref<640x128xf32, #tpu.memory_space<vmem>>, vector<640x128xf32>
    tpu.vector_store %arg4[%swap3A, %swap3A_10], %add3A_9 {strides = array<i32>} : memref<640x128xf32, #tpu.memory_space<vmem>>, vector<640x128xf32>,
    return
  }
  func.func @transform_0(%arg0: i32) -> (i32, i32) {
    %c0_i32 = arith.constant 0 : i32
    %c0_i32_0 = arith.constant 0 : i32
    return %arg0, %c0_i32 : i32, i32
  }
  func.func @transform_1(%arg0: i32) -> (i32, i32) {
    %c0_i32 = arith.constant 0 : i32
    %c0_i32_0 = arith.constant 0 : i32
    %c0_i32_1 = arith.constant 0 : i32
    return %c0_i32, %c0_i32_0 : i32, i32
  }
  func.func @transform_2(%arg0: i32) -> (i32, i32) {
    %c0_i32 = arith.constant 0 : i32
    %c0_i32_0 = arith.constant 0 : i32
    %c0_i32_1 = arith.constant 0 : i32
    return %c0_i32, %c0_i32_0 : i32, i32
  }
  func.func @transform_3(%arg0: i32) -> (i32, i32) {
    %c0_i32 = arith.constant 0 : i32
    %c0_i32_0 = arith.constant 0 : i32
    return %arg0, %c0_i32 : i32, i32
  }
}

module attributes {stable_mosaic.version = 14 : i64} {
  func.func @_tc_layer1(%arg0: i32, %arg1: memref<2x640x128xf32, #tpu.memory_space<vmem>>, %arg2: memref<2x640x1xf32, #tpu.memory_space<vmem>>, %arg3: memref<640x128xf32, #tpu.memory_space<vmem>>, %arg4: memref<128x128xf32, #tpu.memory_space<vmem>>, %arg5: memref<128x1xf32, #tpu.memory_space<vmem>>, %arg6: memref<128x1xf32, #tpu.memory_space<vmem>>, %arg7: memref<1x1xf32, #tpu.memory_space<vmem>>, %arg8: memref<640x1xf32, #tpu.memory_space<vmem>>, %arg9: memref<640x1xf32, #tpu.memory_space<vmem>>, %arg10: memref<640x1xf32, #tpu.memory_space<vmem>>) attributes {dimension_semantics = [#tpu.dimension_semantics<arbitrary>], iteration_bounds = array<i64: 16>, scalar_prefetch = 0 : i64, scratch_operands = 0 : i64, tpu.core_type = #tpu.core_type<tc>, window_params = [{transform_indices = @transform_0, window_bounds = array<i64: 2, 640, 128>}, {transform_indices = @transform_1, window_bounds = array<i64: 2, 640, 1>}, {transform_indices = @transform_2, window_bounds = array<i64: 640, 128>}, {pipeline_mode = #tpu.pipeline_mode<synchronous>, transform_indices = @transform_3, window_bounds = array<i64: 128, 128>}, {pipeline_mode = #tpu.pipeline_mode<synchronous>, transform_indices = @transform_4, window_bounds = array<i64: 128, 1>}, {pipeline_mode = #tpu.pipeline_mode<synchronous>, transform_indices = @transform_5, window_bounds = array<i64: 128, 1>}, {pipeline_mode = #tpu.pipeline_mode<synchronous>, transform_indices = @transform_6, window_bounds = array<i64: 1, 1>}, {transform_indices = @transform_7, window_bounds = array<i64: 640, 1>}, {transform_indices = @transform_8, window_bounds = array<i64: 640, 1>}, {transform_indices = @transform_9, window_bounds = array<i64: 640, 1>}]} {
    %get3A = arith.constant 0 : index
    %get3A_0 = arith.constant 0 : index
    %get3A_1 = arith.constant 0 : index
    %get3A_2 = vector.load %arg1[%get3A, %get3A_0, %get3A_1] : memref<2x640x128xf32, #tpu.memory_space<vmem>>, vector<1x640x128xf32>
    %get3A_3 = vector.shape_cast %get3A_2 : vector<1x640x128xf32> to vector<640x128xf32>
    %get3A_4 = arith.constant 1 : index
    %get3A_5 = arith.constant 0 : index
    %get3A_6 = arith.constant 0 : index
    %get3A_7 = vector.load %arg1[%get3A_4, %get3A_5, %get3A_6] : memref<2x640x128xf32, #tpu.memory_space<vmem>>, vector<1x640x128xf32>
    %get3A_8 = vector.shape_cast %get3A_7 : vector<1x640x128xf32> to vector<640x128xf32>
    %add3A = arith.addf %get3A_3, %get3A_8 : vector<640x128xf32>
    %get3A_9 = arith.constant 0 : index
    %get3A_10 = arith.constant 0 : index
    %get3A_11 = arith.constant 0 : index
    %get3A_12 = vector.load %arg2[%get3A_9, %get3A_10, %get3A_11] : memref<2x640x1xf32, #tpu.memory_space<vmem>>, vector<1x640x1xf32>
    %get3A_13 = vector.shape_cast %get3A_12 : vector<1x640x1xf32> to vector<640x1xf32>
    %get3A_14 = arith.constant 1 : index
    %get3A_15 = arith.constant 0 : index
    %get3A_16 = arith.constant 0 : index
    %get3A_17 = vector.load %arg2[%get3A_14, %get3A_15, %get3A_16] : memref<2x640x1xf32, #tpu.memory_space<vmem>>, vector<1x640x1xf32>
    %get3A_18 = vector.shape_cast %get3A_17 : vector<1x640x1xf32> to vector<640x1xf32>
    %add3A_19 = arith.addf %get3A_13, %get3A_18 : vector<640x1xf32>
    %max3A = arith.constant 1.000000e+00 : f32
    %max3A_20 = vector.broadcast %max3A : f32 to vector<640x1xf32>
    %max3A_21 = arith.maximumf %add3A_19, %max3A_20 : vector<640x1xf32>
    %div3A = vector.broadcast %max3A_21 : vector<640x1xf32> to vector<640x128xf32>
    %div3A_22 = arith.divf %add3A, %div3A : vector<640x128xf32>
    %get3A_23 = arith.constant 0 : index
    %get3A_24 = arith.constant 0 : index
    %get3A_25 = vector.load %arg4[%get3A_23, %get3A_24] : memref<128x128xf32, #tpu.memory_space<vmem>>, vector<128x128xf32>
    %dot_general3A = arith.constant dense<0.000000e+00> : vector<640x128xf32>
    %dot_general3A_26 = tpu.matmul %div3A_22, %get3A_25, %dot_general3A {dimension_numbers = #tpu.dot_dimension_numbers<[1], [0], [0], [1], [0, 0, 1, 1], [], []>, transpose_lhs_hint = false} : vector<640x128xf32>, vector<128x128xf32>, vector<640x128xf32> -> vector<640x128xf32>
    %get3A_27 = arith.constant 0 : index
    %get3A_28 = arith.constant 0 : index
    %get3A_29 = vector.load %arg3[%get3A_27, %get3A_28] : memref<640x128xf32, #tpu.memory_space<vmem>>, vector<640x128xf32>
    %add3A_30 = arith.addf %dot_general3A_26, %get3A_29 : vector<640x128xf32>
    %max3A_31 = arith.constant 0.000000e+00 : f32
    %max3A_32 = vector.broadcast %max3A_31 : f32 to vector<640x128xf32>
    %max3A_33 = arith.maximumf %add3A_30, %max3A_32 : vector<640x128xf32>
    %get3A_34 = arith.constant 0 : index
    %get3A_35 = arith.constant 0 : index
    %get3A_36 = vector.load %arg5[%get3A_34, %get3A_35] : memref<128x1xf32, #tpu.memory_space<vmem>>, vector<128x1xf32>
    %dot_general3A_37 = arith.constant dense<0.000000e+00> : vector<640x1xf32>
    %dot_general3A_38 = tpu.matmul %max3A_33, %get3A_36, %dot_general3A_37 {dimension_numbers = #tpu.dot_dimension_numbers<[1], [0], [0], [1], [0, 0, 1, 1], [], []>, transpose_lhs_hint = false} : vector<640x128xf32>, vector<128x1xf32>, vector<640x1xf32> -> vector<640x1xf32>
    %swap3A = arith.constant 0 : index
    %swap3A_39 = arith.constant 0 : index
    %swap3A_40 = vector.load %arg8[%swap3A, %swap3A_39] : memref<640x1xf32, #tpu.memory_space<vmem>>, vector<640x1xf32>
    tpu.vector_store %arg8[%swap3A, %swap3A_39], %dot_general3A_38 {strides = array<i32>} : memref<640x1xf32, #tpu.memory_space<vmem>>, vector<640x1xf32>,
    %get3A_41 = arith.constant 0 : index
    %get3A_42 = arith.constant 0 : index
    %get3A_43 = vector.load %arg6[%get3A_41, %get3A_42] : memref<128x1xf32, #tpu.memory_space<vmem>>, vector<128x1xf32>
    %dot_general3A_44 = arith.constant dense<0.000000e+00> : vector<640x1xf32>
    %dot_general3A_45 = tpu.matmul %max3A_33, %get3A_43, %dot_general3A_44 {dimension_numbers = #tpu.dot_dimension_numbers<[1], [0], [0], [1], [0, 0, 1, 1], [], []>, transpose_lhs_hint = false} : vector<640x128xf32>, vector<128x1xf32>, vector<640x1xf32> -> vector<640x1xf32>
    %get3A_46 = arith.constant 0 : index
    %get3A_47 = arith.constant 0 : index
    %get3A_48 = vector.load %arg7[%get3A_46, %get3A_47] : memref<1x1xf32, #tpu.memory_space<vmem>>, vector<1x1xf32>
    %add3A_49 = vector.broadcast %get3A_48 : vector<1x1xf32> to vector<640x1xf32>
    %add3A_50 = arith.addf %dot_general3A_45, %add3A_49 : vector<640x1xf32>
    %swap3A_51 = arith.constant 0 : index
    %swap3A_52 = arith.constant 0 : index
    %swap3A_53 = vector.load %arg9[%swap3A_51, %swap3A_52] : memref<640x1xf32, #tpu.memory_space<vmem>>, vector<640x1xf32>
    tpu.vector_store %arg9[%swap3A_51, %swap3A_52], %add3A_50 {strides = array<i32>} : memref<640x1xf32, #tpu.memory_space<vmem>>, vector<640x1xf32>,
    %swap3A_54 = arith.constant 0 : index
    %swap3A_55 = arith.constant 0 : index
    %swap3A_56 = vector.load %arg10[%swap3A_54, %swap3A_55] : memref<640x1xf32, #tpu.memory_space<vmem>>, vector<640x1xf32>
    tpu.vector_store %arg10[%swap3A_54, %swap3A_55], %max3A_21 {strides = array<i32>} : memref<640x1xf32, #tpu.memory_space<vmem>>, vector<640x1xf32>,
    return
  }
  func.func @transform_0(%arg0: i32) -> (i32, i32, i32) {
    %c0_i32 = arith.constant 0 : i32
    %c0_i32_0 = arith.constant 0 : i32
    %c0_i32_1 = arith.constant 0 : i32
    return %c0_i32, %arg0, %c0_i32_0 : i32, i32, i32
  }
  func.func @transform_1(%arg0: i32) -> (i32, i32, i32) {
    %c0_i32 = arith.constant 0 : i32
    %c0_i32_0 = arith.constant 0 : i32
    %c0_i32_1 = arith.constant 0 : i32
    return %c0_i32, %arg0, %c0_i32_0 : i32, i32, i32
  }
  func.func @transform_2(%arg0: i32) -> (i32, i32) {
    %c0_i32 = arith.constant 0 : i32
    %c0_i32_0 = arith.constant 0 : i32
    return %arg0, %c0_i32 : i32, i32
  }
  func.func @transform_3(%arg0: i32) -> (i32, i32) {
    %c0_i32 = arith.constant 0 : i32
    %c0_i32_0 = arith.constant 0 : i32
    %c0_i32_1 = arith.constant 0 : i32
    return %c0_i32, %c0_i32_0 : i32, i32
  }
  func.func @transform_4(%arg0: i32) -> (i32, i32) {
    %c0_i32 = arith.constant 0 : i32
    %c0_i32_0 = arith.constant 0 : i32
    %c0_i32_1 = arith.constant 0 : i32
    return %c0_i32, %c0_i32_0 : i32, i32
  }
  func.func @transform_5(%arg0: i32) -> (i32, i32) {
    %c0_i32 = arith.constant 0 : i32
    %c0_i32_0 = arith.constant 0 : i32
    %c0_i32_1 = arith.constant 0 : i32
    return %c0_i32, %c0_i32_0 : i32, i32
  }
  func.func @transform_6(%arg0: i32) -> (i32, i32) {
    %c0_i32 = arith.constant 0 : i32
    %c0_i32_0 = arith.constant 0 : i32
    %c0_i32_1 = arith.constant 0 : i32
    return %c0_i32, %c0_i32_0 : i32, i32
  }
  func.func @transform_7(%arg0: i32) -> (i32, i32) {
    %c0_i32 = arith.constant 0 : i32
    %c0_i32_0 = arith.constant 0 : i32
    return %arg0, %c0_i32 : i32, i32
  }
  func.func @transform_8(%arg0: i32) -> (i32, i32) {
    %c0_i32 = arith.constant 0 : i32
    %c0_i32_0 = arith.constant 0 : i32
    return %arg0, %c0_i32 : i32, i32
  }
  func.func @transform_9(%arg0: i32) -> (i32, i32) {
    %c0_i32 = arith.constant 0 : i32
    %c0_i32_0 = arith.constant 0 : i32
    return %arg0, %c0_i32 : i32, i32
  }
}

module attributes {stable_mosaic.version = 14 : i64} {
  func.func @_tc_head(%arg0: i32, %arg1: memref<2x10240x1xf32, #tpu.memory_space<vmem>>, %arg2: memref<10240x1xf32, #tpu.memory_space<vmem>>, %arg3: memref<10240x1xf32, #tpu.memory_space<vmem>>, %arg4: memref<10000x1xf32, #tpu.memory_space<vmem>>, %arg5: memref<1x1xf32, #tpu.memory_space<vmem>>, %arg6: memref<1x1xf32, #tpu.memory_space<vmem>>, %arg7: memref<1x1xf32, #tpu.memory_space<vmem>>, %arg8: memref<1x1xf32, #tpu.memory_space<vmem>>, %arg9: memref<10000x1xf32, #tpu.memory_space<vmem>>) attributes {dimension_semantics = [#tpu.dimension_semantics<arbitrary>], iteration_bounds = array<i64: 1>, scalar_prefetch = 0 : i64, scratch_operands = 0 : i64, tpu.core_type = #tpu.core_type<tc>, window_params = [{pipeline_mode = #tpu.pipeline_mode<synchronous>, transform_indices = @transform_0, window_bounds = array<i64: 2, 10240, 1>}, {pipeline_mode = #tpu.pipeline_mode<synchronous>, transform_indices = @transform_1, window_bounds = array<i64: 10240, 1>}, {pipeline_mode = #tpu.pipeline_mode<synchronous>, transform_indices = @transform_2, window_bounds = array<i64: 10240, 1>}, {pipeline_mode = #tpu.pipeline_mode<synchronous>, transform_indices = @transform_3, window_bounds = array<i64: 10000, 1>}, {pipeline_mode = #tpu.pipeline_mode<synchronous>, transform_indices = @transform_4, window_bounds = array<i64: 1, 1>}, {pipeline_mode = #tpu.pipeline_mode<synchronous>, transform_indices = @transform_5, window_bounds = array<i64: 1, 1>}, {pipeline_mode = #tpu.pipeline_mode<synchronous>, transform_indices = @transform_6, window_bounds = array<i64: 1, 1>}, {pipeline_mode = #tpu.pipeline_mode<synchronous>, transform_indices = @transform_7, window_bounds = array<i64: 1, 1>}, {pipeline_mode = #tpu.pipeline_mode<synchronous>, transform_indices = @transform_8, window_bounds = array<i64: 10000, 1>}]} {
    %get3A = arith.constant 0 : index
    %get3A_0 = arith.constant 0 : index
    %get3A_1 = arith.constant 0 : index
    %get3A_2 = vector.load %arg1[%get3A, %get3A_0, %get3A_1] : memref<2x10240x1xf32, #tpu.memory_space<vmem>>, vector<1x10240x1xf32>
    %get3A_3 = vector.shape_cast %get3A_2 : vector<1x10240x1xf32> to vector<10240x1xf32>
    %get3A_4 = arith.constant 1 : index
    %get3A_5 = arith.constant 0 : index
    %get3A_6 = arith.constant 0 : index
    %get3A_7 = vector.load %arg1[%get3A_4, %get3A_5, %get3A_6] : memref<2x10240x1xf32, #tpu.memory_space<vmem>>, vector<1x10240x1xf32>
    %get3A_8 = vector.shape_cast %get3A_7 : vector<1x10240x1xf32> to vector<10240x1xf32>
    %add3A = arith.addf %get3A_3, %get3A_8 : vector<10240x1xf32>
    %get3A_9 = arith.constant 0 : index
    %get3A_10 = arith.constant 0 : index
    %get3A_11 = vector.load %arg2[%get3A_9, %get3A_10] : memref<10240x1xf32, #tpu.memory_space<vmem>>, vector<10240x1xf32>
    %div3A = arith.divf %add3A, %get3A_11 : vector<10240x1xf32>
    %get3A_12 = arith.constant 0 : index
    %get3A_13 = arith.constant 0 : index
    %get3A_14 = vector.load %arg3[%get3A_12, %get3A_13] : memref<10240x1xf32, #tpu.memory_space<vmem>>, vector<10240x1xf32>
    %add3A_15 = arith.addf %div3A, %get3A_14 : vector<10240x1xf32>
    %slice3A = vector.extract_strided_slice %add3A_15 {offsets = [0, 0], sizes = [10000, 1], strides = [1, 1]} : vector<10240x1xf32> to vector<10000x1xf32>
    %get3A_16 = arith.constant 0 : index
    %get3A_17 = arith.constant 0 : index
    %get3A_18 = vector.load %arg5[%get3A_16, %get3A_17] : memref<1x1xf32, #tpu.memory_space<vmem>>, vector<1x1xf32>
    %get3A_19 = vector.extract %get3A_18[0, 0] : f32 from vector<1x1xf32>
    %mul3A = vector.broadcast %get3A_19 : f32 to vector<10000x1xf32>
    %mul3A_20 = arith.mulf %slice3A, %mul3A : vector<10000x1xf32>
    %get3A_21 = arith.constant 0 : index
    %get3A_22 = arith.constant 0 : index
    %get3A_23 = vector.load %arg6[%get3A_21, %get3A_22] : memref<1x1xf32, #tpu.memory_space<vmem>>, vector<1x1xf32>
    %get3A_24 = vector.extract %get3A_23[0, 0] : f32 from vector<1x1xf32>
    %add3A_25 = vector.broadcast %get3A_24 : f32 to vector<10000x1xf32>
    %add3A_26 = arith.addf %mul3A_20, %add3A_25 : vector<10000x1xf32>
    %get3A_27 = arith.constant 0 : index
    %get3A_28 = arith.constant 0 : index
    %get3A_29 = vector.load %arg7[%get3A_27, %get3A_28] : memref<1x1xf32, #tpu.memory_space<vmem>>, vector<1x1xf32>
    %get3A_30 = vector.extract %get3A_29[0, 0] : f32 from vector<1x1xf32>
    %mul3A_31 = vector.broadcast %get3A_30 : f32 to vector<10000x1xf32>
    %mul3A_32 = arith.mulf %slice3A, %mul3A_31 : vector<10000x1xf32>
    %get3A_33 = arith.constant 0 : index
    %get3A_34 = arith.constant 0 : index
    %get3A_35 = vector.load %arg8[%get3A_33, %get3A_34] : memref<1x1xf32, #tpu.memory_space<vmem>>, vector<1x1xf32>
    %get3A_36 = vector.extract %get3A_35[0, 0] : f32 from vector<1x1xf32>
    %add3A_37 = vector.broadcast %get3A_36 : f32 to vector<10000x1xf32>
    %add3A_38 = arith.addf %mul3A_32, %add3A_37 : vector<10000x1xf32>
    %get3A_39 = arith.constant 0 : index
    %get3A_40 = arith.constant 0 : index
    %get3A_41 = vector.load %arg4[%get3A_39, %get3A_40] : memref<10000x1xf32, #tpu.memory_space<vmem>>, vector<10000x1xf32>
    %exp3A = math.exp %add3A_38 : vector<10000x1xf32>
    %mul3A_42 = arith.mulf %get3A_41, %exp3A : vector<10000x1xf32>
    %add3A_43 = arith.addf %add3A_26, %mul3A_42 : vector<10000x1xf32>
    %swap3A = arith.constant 0 : index
    %swap3A_44 = arith.constant 0 : index
    %swap3A_45 = vector.load %arg9[%swap3A, %swap3A_44] : memref<10000x1xf32, #tpu.memory_space<vmem>>, vector<10000x1xf32>
    tpu.vector_store %arg9[%swap3A, %swap3A_44], %add3A_43 {strides = array<i32>} : memref<10000x1xf32, #tpu.memory_space<vmem>>, vector<10000x1xf32>,
    return
  }
  func.func @transform_0(%arg0: i32) -> (i32, i32, i32) {
    %c0_i32 = arith.constant 0 : i32
    %c0_i32_0 = arith.constant 0 : i32
    %c0_i32_1 = arith.constant 0 : i32
    %c0_i32_2 = arith.constant 0 : i32
    return %c0_i32, %c0_i32_0, %c0_i32_1 : i32, i32, i32
  }
  func.func @transform_1(%arg0: i32) -> (i32, i32) {
    %c0_i32 = arith.constant 0 : i32
    %c0_i32_0 = arith.constant 0 : i32
    %c0_i32_1 = arith.constant 0 : i32
    return %c0_i32, %c0_i32_0 : i32, i32
  }
  func.func @transform_2(%arg0: i32) -> (i32, i32) {
    %c0_i32 = arith.constant 0 : i32
    %c0_i32_0 = arith.constant 0 : i32
    %c0_i32_1 = arith.constant 0 : i32
    return %c0_i32, %c0_i32_0 : i32, i32
  }
  func.func @transform_3(%arg0: i32) -> (i32, i32) {
    %c0_i32 = arith.constant 0 : i32
    %c0_i32_0 = arith.constant 0 : i32
    %c0_i32_1 = arith.constant 0 : i32
    return %c0_i32, %c0_i32_0 : i32, i32
  }
  func.func @transform_4(%arg0: i32) -> (i32, i32) {
    %c0_i32 = arith.constant 0 : i32
    %c0_i32_0 = arith.constant 0 : i32
    %c0_i32_1 = arith.constant 0 : i32
    return %c0_i32, %c0_i32_0 : i32, i32
  }
  func.func @transform_5(%arg0: i32) -> (i32, i32) {
    %c0_i32 = arith.constant 0 : i32
    %c0_i32_0 = arith.constant 0 : i32
    %c0_i32_1 = arith.constant 0 : i32
    return %c0_i32, %c0_i32_0 : i32, i32
  }
  func.func @transform_6(%arg0: i32) -> (i32, i32) {
    %c0_i32 = arith.constant 0 : i32
    %c0_i32_0 = arith.constant 0 : i32
    %c0_i32_1 = arith.constant 0 : i32
    return %c0_i32, %c0_i32_0 : i32, i32
  }
  func.func @transform_7(%arg0: i32) -> (i32, i32) {
    %c0_i32 = arith.constant 0 : i32
    %c0_i32_0 = arith.constant 0 : i32
    %c0_i32_1 = arith.constant 0 : i32
    return %c0_i32, %c0_i32_0 : i32, i32
  }
  func.func @transform_8(%arg0: i32) -> (i32, i32) {
    %c0_i32 = arith.constant 0 : i32
    %c0_i32_0 = arith.constant 0 : i32
    %c0_i32_1 = arith.constant 0 : i32
    return %c0_i32, %c0_i32_0 : i32, i32
  }
}

</mosaic_0001>

<sc_bundles>
// kernel: kernel.10.cloned.1.call-start
scs
__scs_entry_jumppad:
0x0: {  	(pc) =	sbr.rel $0x88, $3  }
0x1: {  	(tag) =	ssettag $0x0;
	lr =	simm.s32 $0x1  }
0x2: {  	[smem:$0x3F94] =	sst lr;
	_ =	strace $0xD0000000  }
0x3: {  	_ = 	snop  }
0x4: {  	_ = 	snop  }
0x5: {  	_ = 	snop  }
0x6: {  	_ = 	snop  }
0x7: {  	_ = 	snop  }
__scs_overlays_trampoline_lowered:
0x8: {  	[smem:$0x3FA3] =	sst s0  }
0x9: {  	[smem:$0x3FA4] =	sst s1  }
0xa: {  	[smem:$0x3FA5] =	sst s2  }
0xb: {  	[smem:$0x3FA6] =	sst s3  }
0xc: {  	[smem:$0x3FA7] =	sst s4  }
0xd: {  	[smem:$0x3FA8] =	sst s5  }
0xe: {  	[smem:$0x3FA9] =	sst s6  }
0xf: {  	[smem:$0x3FAA] =	sst s7  }
0x10: {  	[smem:$0x3FAB] =	sst s8  }
0x11: {  	[smem:$0x3FAC] =	sst s9;
	s0 =	simm.s32 @!p0 $0x0  }
0x12: {  	s1 =	sld [smem:$0x3F92];
	s0 =	simm.s32 @p0 $0x1  }
0x13: {  	[smem:$0x3FAD] =	sst s0;
	s0 =	simm.s32 @!p1 $0x0  }
0x14: {  	s2 =	sld [smem:$0x3F91];
	s0 =	simm.s32 @p1 $0x1  }
0x15: {  	[smem:$0x3FAE] =	sst s0;
	s0 =	simm.s32 @!p2 $0x0  }
0x16: {  	s3 =	sld [smem:$0x3FDB];
	s0 =	simm.s32 @p2 $0x1  }
0x17: {  	s4 =	simm.s32 $0x1BF5;
	[smem:$0x3FB0] =	sst s0  }
0x18: {  	s0 =	sld [smem:$0x3F93];
	_ =	swait.ge [sflag:s4], $0x0  }
0x19: {  	s7 =	sld [smem:$0x3F94]  }
0x1a: {  	s8 =	sadd.s32 $0xFFFFE003, lr  }
0x1b: {  	s9 =	sadd.s32 $0xFFFFFEF7, lr;
	s5 =	simm.s32 $0xFFFFFFFF;
	p2 =	slt.u32 s8, $0xFFFFF086  }
0x1c: {  	p1 =	slt.u32 s9, $0xF7A;
	s5 =	simm.s32 @!p2 $0x0  }
0x1d: {  	s5 =	simm.s32 @p1 $0x1;
	p0 =	seq.s32 s7, s2  }
0x1e: {  	s7 =	smul.u32 @!p0 $0xF7A, s2;
	p2 =	seq.s32 @!p0 s5, $0x0  }
0x1f: {  	s9 =	smul.u32 $0xF7A, s1;
	s8 =	simm.s32 @!p0 $0x1BF5;
	p2 =	por !p2, p0  }
0x20: {  	[sflag:s8] =	ssyncset.s32 @!p0 $0xFFFFF086;
	s6 =	sadd.s32 @!p0 s3, s7;
	s7 =	simm.s32 @!p0 $0x108  }
0x21: {  	s3 =	sadd.s32 s3, s9;
	s6 =	sadd.s32 @!p0 $0x88, s6;
	s7 =	simm.s32 @p2 $0x1082  }
0x22: {  	[simem:s7], [sflag:s8] =	dma.local @!p0 [hbm:s6], $0xF7A  }
0x23: {  	s9 =	sor.u32 $0xD0000000, s2;
	s6 =	simm.s32 $0x108;
	_ =	swait.ge @!p0 [sflag:s8], $0x0  }
0x24: {  	s3 =	sadd.s32 $0x88, s3;
	s6 =	simm.s32 @!p1 $0x1082;
	[sflag:s4] =	ssyncset.s32 $0xFFFFF086  }
0x25: {  	[simem:s6], [sflag:s4] =	dma.local [hbm:s3], $0xF7A  }
0x26: {  	[smem:$0x3F94] =	sst s1;
	(tag) =	ssettag s2;
	_ =	strace s9  }
0x27: {  	s1 =	sld [smem:$0x3FA4]  }
0x28: {  	s2 =	sld [smem:$0x3FA5]  }
0x29: {  	s4 =	sld [smem:$0x3FA7]  }
0x2a: {  	p0 =	seq.s32 s5, $0x0;
	s5 =	sld [smem:$0x3FA8]  }
0x2b: {  	s6 =	sld [smem:$0x3FA9]  }
0x2c: {  	s7 =	sld [smem:$0x3FAA]  }
0x2d: {  	s3 =	simm.s32 $0x108;
	s8 =	sld [smem:$0x3FAB]  }
0x2e: {  	s3 =	simm.s32 @!p0 $0x1082;
	s9 =	sld [smem:$0x3FAC]  }
0x2f: {  	lr =	sadd.s32 s0, s3;
	s0 =	sld [smem:$0x3FA3]  }
0x30: {  	s3 =	sld [smem:$0x3FA6]  }
0x31: {  	[smem:$0x3FAF] =	sst s10  }
0x32: {  	s10 =	sld [smem:$0x3FAD];
	_ =	sdelay $0x3  }
0x33: {  	p0 =	seq.s32 s10, $0x1;
	s10 =	sld [smem:$0x3FAF];
	_ =	sdelay $0x3  }
0x34: {  	[smem:$0x3FAF] =	sst s10  }
0x35: {  	s10 =	sld [smem:$0x3FAE];
	_ =	sdelay $0x3  }
0x36: {  	p1 =	seq.s32 s10, $0x1;
	s10 =	sld [smem:$0x3FAF];
	_ =	sdelay $0x3  }
0x37: {  	[smem:$0x3FAF] =	sst s10  }
0x38: {  	s10 =	sld [smem:$0x3FB0]  }
0x39: {  	_ = 	snop;
	(pc) =	sbr.ind lr, $3  }
0x3a: {  	_ = 	snop  }
0x3b: {  	_ = 	snop  }
0x3c: {  	p2 =	seq.s32 s10, $0x1;
	s10 =	sld [smem:$0x3FAF]  }
0x3d: {  	_ =	shalt  }
0x3e: {  	_ =	shalt  }
0x3f: {  	_ =	shalt  }
0x40: {  	_ =	shalt  }
0x41: {  	_ =	shalt  }
0x42: {  	_ =	shalt  }
0x43: {  	_ =	shalt  }
0x44: {  	_ =	shalt  }
0x45: {  	_ =	shalt  }
0x46: {  	_ =	shalt  }
0x47: {  	_ =	shalt  }
0x48: {  	_ =	shalt  }
0x49: {  	_ =	shalt  }
0x4a: {  	_ =	shalt  }
0x4b: {  	_ =	shalt  }
0x4c: {  	_ =	shalt  }
0x4d: {  	_ =	shalt  }
0x4e: {  	_ =	shalt  }
0x4f: {  	_ =	shalt  }
0x50: {  	_ =	shalt  }
0x51: {  	_ =	shalt  }
0x52: {  	_ =	shalt  }
0x53: {  	_ =	shalt  }
0x54: {  	_ =	shalt  }
0x55: {  	_ =	shalt  }
0x56: {  	_ =	shalt  }
0x57: {  	_ =	shalt  }
0x58: {  	_ =	shalt  }
0x59: {  	_ =	shalt  }
0x5a: {  	_ =	shalt  }
0x5b: {  	_ =	shalt  }
0x5c: {  	_ =	shalt  }
0x5d: {  	_ =	shalt  }
0x5e: {  	_ =	shalt  }
0x5f: {  	_ =	shalt  }
0x60: {  	_ =	shalt  }
0x61: {  	_ =	shalt  }
0x62: {  	_ =	shalt  }
0x63: {  	_ =	shalt  }
0x64: {  	_ =	shalt  }
0x65: {  	_ =	shalt  }
0x66: {  	_ =	shalt  }
0x67: {  	_ =	shalt  }
0x68: {  	_ =	shalt  }
0x69: {  	_ =	shalt  }
0x6a: {  	_ =	shalt  }
0x6b: {  	_ =	shalt  }
0x6c: {  	_ =	shalt  }
0x6d: {  	_ =	shalt  }
0x6e: {  	_ =	shalt  }
0x6f: {  	_ =	shalt  }
0x70: {  	_ =	shalt  }
0x71: {  	_ =	shalt  }
0x72: {  	_ =	shalt  }
0x73: {  	_ =	shalt  }
0x74: {  	_ =	shalt  }
0x75: {  	_ =	shalt  }
0x76: {  	_ =	shalt  }
0x77: {  	_ =	shalt  }
0x78: {  	_ =	shalt  }
0x79: {  	_ =	shalt  }
0x7a: {  	_ =	shalt  }
0x7b: {  	_ =	shalt  }
0x7c: {  	_ =	shalt  }
0x7d: {  	_ =	shalt  }
0x7e: {  	_ =	shalt  }
0x7f: {  	_ =	shalt  }
0x80: {  	_ =	shalt  }
0x81: {  	_ =	shalt  }
0x82: {  	_ =	shalt  }
0x83: {  	_ =	shalt  }
0x84: {  	_ =	shalt  }
0x85: {  	_ =	shalt  }
0x86: {  	_ =	shalt  }
0x87: {  	_ =	shalt  }
.Lfunc_end0:
.L_simem_size_0:
called_computation.1_lowered:
.L_overlay_start_0:
0x88: {  	s2 =	sld [smem:$0x3FD9]  }
0x89: {  	s3 =	sld [smem:$0x3FFE];
	_ =	sdelay $0x1  }
0x8a: {  	s1 =	srdreg.scid  }
0x8b: {  	s0 =	sand.u32 $0x1, s1  }
0x8c: {  	s16 =	sshll.u32 s0, $0xA;
	s2 =	sadd.s32 s3, s2  }
0x8d: {  	s2 =	sadd.s32 s2, s16  }
0x8e: {  	[smem:$0x3FBB] =	sst s2  }
0x8f: {  	_ = 	snop  }
0x90: {  	(tm) =	ssettm $0x1  }
0x91: {  	s17 =	sld [smem:$0x3FFB];
	_ =	sdelay $0x3  }
0x92: {  	_ =	strace s17  }
0x93: {  	s2 =	sld [smem:$0x3FFC];
	_ =	sdelay $0x3  }
0x94: {  	_ =	strace s2  }
0x95: {  	s2 =	sld [smem:$0x3FFD];
	_ =	sdelay $0x3  }
0x96: {  	_ =	strace s2  }
0x97: {  	_ =	strace $0x8FFFFFFF  }
0x98: {  	s18 =	sld [smem:$0x3FDB];
	_ =	sdelay $0x1  }
0x99: {  	s19 =	simm.s32 $_scs_section_size  }
0x9a: {  	s4 =	simm.s32 $_size__tile_overlayer_lowered;
	s5 =	simm.s32 $_tile_overlayer_lowered  }
0x9b: {  	s22 =	simm.s32 $0x1BFF;
	s21 =	sshll.u32 s5, $0x1;
	s2 =	sadd.s32 s19, s18  }
0x9c: {  	s6 =	simm.s32 $0x0;
	s20 =	sshll.u32 s4, $0x1;
	s4 =	sadd.s32 s21, s2  }
0x9d: {  	[timem:s6], [sflag:s22] =	dma.local [hbm:s4], s20  }
0x9e: {  	_ =	swait.ge [sflag:s22], s20  }
0x9f: {  	s3 =	ssub.s32 $0x0, s20;
	[sflag:s22] =	ssyncset.done $0x0  }
0xa0: {  	[sflag:s22] =	ssyncadd.s32 s3;
	_ =	sdelay $0x1  }
0xa1: {  	s23 =	simm.s32 $0x1B8B  }
0xa2: {  	_ =	swait.ge [sflag:s23], $0x1  }
0xa3: {  	[sflag:s23] =	ssyncset.done $0x0  }
0xa4: {  	s25 =	simm.s32 $0x1B8E;
	s24 =	sld [smem:$0x3FFE];
	[sflag:s23] =	ssyncadd.s32 $0xFFFFFFFF  }
0xa5: {  	s26 =	simm.s32 $execute0_lowered;
	[smem:$0x3FD2] =	sst s25  }
0xa6: {  	s4 =	sshll.u32 s26, $0x1;
	_ =	strace $0x80000049;
	[dreg:$0x1] =	wrdreg $0xFFFFFFFF  }
0xa7: {  	s28 =	simm.s32 $_size_execute0_lowered;
	s2 =	sadd.s32 s2, s4;
	[dreg:$0x0] =	wrdreg $0x0  }
0xa8: {  	s4 =	sshll.u32 s28, $0x1;
	[dreg:$0x2] =	wrdreg s2  }
0xa9: {  	[dreg:$0x3] =	wrdreg s4  }
0xaa: {  	[dreg:$0x4] =	wrdreg $0xC0  }
0xab: {  	_ =	task [dreg:s6], $0x5FFFF  }
0xac: {  	[dreg:$0x1] =	wrdreg $0xFFFFFFFF  }
0xad: {  	[dreg:$0x0] =	wrdreg $0x60  }
0xae: {  	[dreg:$0x2] =	wrdreg s24  }
0xaf: {  	[dreg:$0x3] =	wrdreg $0xA2800  }
0xb0: {  	[dreg:$0x4] =	wrdreg $0x9  }
0xb1: {  	_ =	task.clear_ibuf [dreg:s6], $0x5FFFF;
	_ =	strace $0x90000049  }
0xb2: {  	s29 =	simm.s32 $0x9;
	_ =	strace $0x8000004B  }
0xb3: {  	_ =	swait.ge [sflag:s29], $0x1  }
0xb4: {  	[sflag:s29] =	ssyncadd.s32 $0xFFFFFFFF  }
0xb5: {  	_ =	strace $0x9000004B  }
0xb6: {  	_ =	sfence  }
0xb7: {  	s30 =	sld [smem:$0x0];
	_ =	sdelay $0x2  }
0xb8: {  	s31 =	sshll.u32 s1, $0xD;
	s1 =	sshrl.u32 s1, $0x2  }
0xb9: {  	s3 =	sand.u32 $0x4000, s31;
	s1 =	sadd.s32 s1, s30  }
0xba: {  	s0 =	sor.u32 s3, s0;
	s1 =	sshll.u32 s1, $0x11  }
0xbb: {  	s0 =	sor.u32 s1, s0  }
0xbc: {  	s0 =	sadd.s32 $0x8F2B, s0  }
0xbd: {  	[sflag:s0] =	ssyncadd.remote.s32 $0x1  }
0xbe: {  	_ =	sfence.sel $0xFFFF  }
0xbf: {  	[dreg:$0x0] =	wrdreg $0xFFFFFFFF;
	(pc) =	sbr.abs _section_cstart, $3  }
0xc0: {  	[dreg:$0x1] =	wrdreg $0xFFFFFFFF  }
0xc1: {  	_ =	task.clear_ibuf [dreg:s6], $0x2FFFF;
	_ =	strace $0x9FFFFFFF  }
0xc2: {  	(tm) =	ssettm $0x7FFFFFFF  }
0xc3: {  	_ =	shalt  }
tec
execute0_lowered:
.L_overlay_start_1:
0x0: {  	(tag) =	ssettag $0x1  }
0x1: {  	s5 =	rddreg [dreg:$0x0]  }
0x2: {  	s1 =	rddreg [dreg:$0x1]  }
0x3: {  	s0 =	rddreg [dreg:$0x2];
	s3 =	simm.s32 $0x0;
	s4 =	srdreg.scid  }
0x4: {  	s2 =	stileid.u32;
	s11 =	simm.s32 $0x2800;
	s12 =	simm.s32 $0x7800  }
0x5: {  	s13 =	simm.s32 $0xA000;
	s14 =	simm.s32 $0x80;
	s15 =	simm.s32 $0x1  }
0x6: {  	s18 =	simm.s32 $0x20;
	s19 =	simm.s32 $0x10;
	s20 =	simm.s32 $0x0  }
0x7: {  	[smem:$0x7FF] =	sst s3;
	s6 =	sand.u32 $0x1, s4;
	s8 =	smul.u32 $0x500, s2  }
0x8: {  	s7 =	sshll.u32 s2, $0x1;
	s4 =	sadd.s32 $0x1200, s5;
	s10 =	smul.u32 $0xA00, s2  }
0x9: {  	s16 =	sshll.u32 s2, $0x6;
	_ =	strace $0x8000004A;
	s7 =	sor.u32 s6, s7  }
0xa: {  	s9 =	sshll.u32 s6, $0x7;
	s6 =	ssub.s32 $0x2, s6;
	s16 =	sor.u32 $0x1C02, s16  }
0xb: {  	s7 =	smul.u32 $0x500, s7;
	s8 =	sor.u32 s9, s8;
	s30 =	sshrl.u32 s6, $0x1  }
0xc: {  	s31 =	sshrl.u32 s10, $0x2;
	s10 =	simm.s32 $0x2;
	s8 =	sshrl.u32 s8, $0x3  }
0xd: {  	s9 =	ssub.s32 s6, s30;
	s7 =	sadd.s32 s7, s5;
	s8 =	sadd.s32 s8, s5  }
0xe: {  	s5 =	sadd.s32 $0x5BC00, s7;
	s6 =	sadd.s32 $0x51C00, s7;
	s7 =	sadd.s32 s31, s1  }
0xf: {  	v0 =	vimm.f32 $0.0e+00;
	s9 =	smax.u32 s9, $0x1;
	s8 =	sadd.s32 $0x1800, s8;
	s17 =	sshrl.u32 s7, $0x3  }
.LBB2_1:
0x10: {  	[tilespmem:s3], [sflag:$0x2] =	stream.linear.gather [hbm4b:s5+s3], $0x2800, $0x38;
	[tilespmem:$0xA500] =	vst v63  }
0x11: {  	_ =	swait.ge [sflag:s10], $0x2800  }
0x12: {  	[sflag:s10] =	ssyncset.done $0x0  }
0x13: {  	[sflag:s10] =	ssyncadd.s32 $0xFFFFD800  }
0x14: {  	[tilespmem:s11], [sflag:$0x2] =	stream.linear.gather [hbm4b:s6+s3], $0x2800, $0x38;
	[tilespmem:$0xA500] =	vst v63  }
0x15: {  	_ =	swait.ge [sflag:s10], $0x2800  }
0x16: {  	[sflag:s10] =	ssyncset.done $0x0  }
0x17: {  	[sflag:s10] =	ssyncadd.s32 $0xFFFFD800  }
0x18: {  	[tilespmem:s12], [sflag:$0x2] =	stream.linear.gather [hbm4b:s4+s3], $0x2800, $0x38;
	[tilespmem:$0xA500] =	vst v63  }
0x19: {  	_ =	swait.ge [sflag:s10], $0x2800  }
0x1a: {  	[sflag:s10] =	ssyncset.done $0x0  }
0x1b: {  	[sflag:s10] =	ssyncadd.s32 $0xFFFFD800  }
0x1c: {  	[tilespmem:$0xA000] =	vst v0  }
0x1d: {  	[tilespmem:$0xA010] =	vst v0  }
0x1e: {  	[tilespmem:$0xA020] =	vst v0  }
0x1f: {  	[tilespmem:$0xA030] =	vst v0  }
0x20: {  	[tilespmem:$0xA040] =	vst v0  }
0x21: {  	[tilespmem:$0xA050] =	vst v0  }
0x22: {  	[tilespmem:$0xA060] =	vst v0  }
0x23: {  	[tilespmem:$0xA070] =	vst v0  }
0x24: {  	[tilespmem:$0xA080] =	vst v0  }
0x25: {  	[tilespmem:$0xA090] =	vst v0  }
0x26: {  	[tilespmem:$0xA0A0] =	vst v0  }
0x27: {  	[tilespmem:$0xA0B0] =	vst v0  }
0x28: {  	[tilespmem:$0xA0C0] =	vst v0  }
0x29: {  	[tilespmem:$0xA0D0] =	vst v0  }
0x2a: {  	[tilespmem:$0xA0E0] =	vst v0  }
0x2b: {  	[tilespmem:$0xA0F0] =	vst v0  }
0x2c: {  	[tilespmem:$0xA100] =	vst v0  }
0x2d: {  	[tilespmem:$0xA110] =	vst v0  }
0x2e: {  	[tilespmem:$0xA120] =	vst v0  }
0x2f: {  	[tilespmem:$0xA130] =	vst v0  }
0x30: {  	[tilespmem:$0xA140] =	vst v0  }
0x31: {  	[tilespmem:$0xA150] =	vst v0  }
0x32: {  	[tilespmem:$0xA160] =	vst v0  }
0x33: {  	[tilespmem:$0xA170] =	vst v0  }
0x34: {  	[tilespmem:$0xA180] =	vst v0  }
0x35: {  	[tilespmem:$0xA190] =	vst v0  }
0x36: {  	[tilespmem:$0xA1A0] =	vst v0  }
0x37: {  	[tilespmem:$0xA1B0] =	vst v0  }
0x38: {  	[tilespmem:$0xA1C0] =	vst v0  }
0x39: {  	[tilespmem:$0xA1D0] =	vst v0  }
0x3a: {  	[tilespmem:$0xA1E0] =	vst v0  }
0x3b: {  	[tilespmem:$0xA1F0] =	vst v0  }
0x3c: {  	[tilespmem:$0xA200] =	vst v0  }
0x3d: {  	[tilespmem:$0xA210] =	vst v0  }
0x3e: {  	[tilespmem:$0xA220] =	vst v0  }
0x3f: {  	[tilespmem:$0xA230] =	vst v0  }
0x40: {  	[tilespmem:$0xA240] =	vst v0  }
0x41: {  	[tilespmem:$0xA250] =	vst v0  }
0x42: {  	[tilespmem:$0xA260] =	vst v0  }
0x43: {  	[tilespmem:$0xA270] =	vst v0  }
0x44: {  	[spmem:s7] =	stream.linear.scatter [tilespmem:s13], [sflag:$0x2], $0x280, $0x38;
	[tilespmem:$0xA500] =	vst v63  }
0x45: {  	_ =	swait.ge [sflag:s10], $0x280  }
0x46: {  	[sflag:s10] =	ssyncset.done $0x0  }
0x47: {  	[sflag:s10] =	ssyncadd.s32 $0xFFFFFD80  }
0x48: {  	s21 =	simm.s32 $0x0;
	[bflag:$0x0] =	sbarrier.arrive $0xFFFF  }
0x49: {  	s22 =	simm.s32 $0x200;
	v1 =	vld [tilespmem:s21+$0x0]  }
.LBB2_2:
0x4a: {  	p0 =	sne.s32 s22, $0x9E00;
	_ =	sdelay $0x5  }
0x4b: {  	v2 =	vld [tilespmem:s21+$0x10]  }
0x4c: {  	v1 =	vld.idx.msk [tilespmem:v1+s12+$0x0], $0xffff;
	_ =	sdelay $0x5  }
0x4d: {  	[tilespmem:s21+$0x5000] =	vst v1;
	v1 =	vld [tilespmem:s21+$0x20]  }
0x4e: {  	v2 =	vld.idx.msk [tilespmem:v2+s12+$0x0], $0xffff;
	_ =	sdelay $0x5  }
0x4f: {  	[tilespmem:s21+$0x5010] =	vst v2;
	v2 =	vld [tilespmem:s21+$0x30]  }
0x50: {  	v1 =	vld.idx.msk [tilespmem:v1+s12+$0x0], $0xffff;
	_ =	sdelay $0x5  }
0x51: {  	[tilespmem:s21+$0x5020] =	vst v1;
	v1 =	vld [tilespmem:s21+$0x40]  }
0x52: {  	v2 =	vld.idx.msk [tilespmem:v2+s12+$0x0], $0xffff;
	_ =	sdelay $0x5  }
0x53: {  	[tilespmem:s21+$0x5030] =	vst v2;
	v2 =	vld [tilespmem:s21+$0x50]  }
0x54: {  	v1 =	vld.idx.msk [tilespmem:v1+s12+$0x0], $0xffff;
	_ =	sdelay $0x5  }
0x55: {  	[tilespmem:s21+$0x5040] =	vst v1;
	v1 =	vld [tilespmem:s21+$0x60]  }
0x56: {  	v2 =	vld.idx.msk [tilespmem:v2+s12+$0x0], $0xffff;
	_ =	sdelay $0x5  }
0x57: {  	[tilespmem:s21+$0x5050] =	vst v2;
	v2 =	vld [tilespmem:s21+$0x70]  }
0x58: {  	v1 =	vld.idx.msk [tilespmem:v1+s12+$0x0], $0xffff;
	_ =	sdelay $0x5  }
0x59: {  	[tilespmem:s21+$0x5060] =	vst v1  }
0x5a: {  	v1 =	vld.idx.msk [tilespmem:v2+s12+$0x0], $0xffff;
	_ =	sdelay $0x2  }
.Ltmp0:
0x5b: {  	(pc) =	sbr.rel @p0 .LBB2_2-.Ltmp0, $4  }
0x5c: {  	_ = 	snop  }
0x5d: {  	s23 =	sshra.s32 s22, $0x2;
	s24 =	sadd.s32 $0x5000, s21;
	s25 =	sadd.s32 $0x2800, s21  }
0x5e: {  	[tilespmem:s21+$0x5070] =	vst v1;
	[spmem:s1] =	stream.indirect.scatter.add.f32 [tilespmem:s24], [sflag:$0x1], $0x1, s25, s14, $0xb8  }
0x5f: {  	s22 =	sadd.s32 $0x200, s22;
	s21 =	smov.u32 s23;
	v1 =	vld [tilespmem:s23+$0x0]  }
0x60: {  	_ =	sdelay $0x5  }
0x61: {  	v2 =	vld [tilespmem:s21+$0x10];
	_ =	sdelay $0x1  }
0x62: {  	v1 =	vld.idx.msk [tilespmem:v1+s12+$0x0], $0xffff;
	_ =	sdelay $0x4  }
0x63: {  	[tilespmem:s21+$0x5000] =	vst v1;
	v1 =	vld [tilespmem:s21+$0x20]  }
0x64: {  	v2 =	vld.idx.msk [tilespmem:v2+s12+$0x0], $0xffff;
	_ =	sdelay $0x4  }
0x65: {  	[tilespmem:s21+$0x5010] =	vst v2;
	v2 =	vld [tilespmem:s21+$0x30];
	_ =	sdelay $0x1  }
0x66: {  	v1 =	vld.idx.msk [tilespmem:v1+s12+$0x0], $0xffff;
	_ =	sdelay $0x4  }
0x67: {  	[tilespmem:s21+$0x5020] =	vst v1;
	v1 =	vld [tilespmem:s21+$0x40]  }
0x68: {  	v2 =	vld.idx.msk [tilespmem:v2+s12+$0x0], $0xffff;
	_ =	sdelay $0x4  }
0x69: {  	[tilespmem:s21+$0x5030] =	vst v2;
	v2 =	vld [tilespmem:s21+$0x50];
	_ =	sdelay $0x1  }
0x6a: {  	v1 =	vld.idx.msk [tilespmem:v1+s12+$0x0], $0xffff;
	_ =	sdelay $0x4  }
0x6b: {  	[tilespmem:s21+$0x5040] =	vst v1;
	v1 =	vld [tilespmem:s21+$0x60]  }
0x6c: {  	v2 =	vld.idx.msk [tilespmem:v2+s12+$0x0], $0xffff;
	_ =	sdelay $0x4  }
0x6d: {  	[tilespmem:s21+$0x5050] =	vst v2;
	v2 =	vld [tilespmem:s21+$0x70];
	_ =	sdelay $0x1  }
0x6e: {  	v1 =	vld.idx.msk [tilespmem:v1+s12+$0x0], $0xffff;
	_ =	sdelay $0x4  }
0x6f: {  	[tilespmem:s21+$0x5060] =	vst v1  }
0x70: {  	v1 =	vld.idx.msk [tilespmem:v2+s12+$0x0], $0xffff;
	_ =	sdelay $0x4  }
0x71: {  	s22 =	sadd.s32 $0x5000, s21;
	s23 =	sadd.s32 $0x2800, s21;
	[tilespmem:s21+$0x5070] =	vst v1  }
0x72: {  	[spmem:s1] =	stream.indirect.scatter.add.f32 [tilespmem:s22], [sflag:$0x1], $0x1, s23, s14, $0xb8;
	[tilespmem:$0xA500] =	vst v63  }
0x73: {  	_ =	swait.ge [sflag:s15], $0x2800  }
0x74: {  	s20 =	sadd.s32 $0x1, s20;
	[sflag:s15] =	ssyncset.done $0x0  }
0x75: {  	p0 =	sne.s32 s20, s9;
	[sflag:s15] =	ssyncadd.s32 $0xFFFFD800  }
.Ltmp1:
0x76: {  	[bflag:$0x0] =	sbarrier.arrive $0xFFFF;
	(pc) =	sbr.rel @p0 .LBB2_1-.Ltmp1, $4  }
0x77: {  	[hbm:s8@s18], [sflag:s16] =	dma.strided [spmem:s17@s19], $0x50, s15, $0x10   }
0x78: {  	_ =	swait.ge [sflag:s10], $0x50  }
0x79: {  	[sflag:s10] =	ssyncset.done $0x0  }
0x7a: {  	[sflag:s10] =	ssyncadd.s32 $0xFFFFFFB0  }
0x7b: {  	_ =	sfence.sel $0x180000  }
0x7c: {  	[bflag:$0x0] =	sbarrier.arrive $0xFFFF  }
0x7d: {  	p0 =	sne.s32 s2, $0x0;
	_ =	strace $0x9000004A  }
0x7e: {  	s0 =	sadd.s32 @!p0 $0x100000, s0;
	[bflag:$0x2] =	sbarrier.arrive $0xFFFF  }
0x7f: {  	[sflag:s0] =	ssyncadd.tile.s32 @!p0 $0x1;
	_ =	shalt  }
.Lfunc_end2:
_tile_overlayer_lowered:
.L_overlay_start_2:
0x80: {  	(tag) =	ssettag $0x2  }
0x81: {  	s0 =	rddreg [dreg:$0x0];
	s2 =	stileid.u32  }
0x82: {  	s1 =	rddreg [dreg:$0x1];
	p0 =	sne.s32 s2, $0x0  }
0x83: {  	s3 =	rddreg [dreg:$0x2];
	[bflag:$0x3] =	sbarrier.arrive $0xFFFF;
	s2 =	simm.s32 @!p0 $0x1C02  }
0x84: {  	[timem:s3], [sflag:s2] =	dma.local @!p0 [hbm:s0], s1  }
0x85: {  	s0 =	simm.s32 @!p0 $0x2  }
0x86: {  	_ =	swait.ge @!p0 [sflag:s0], s1  }
0x87: {  	s1 =	ssub.s32 @!p0 $0x0, s1;
	[sflag:s0] =	ssyncset.done @!p0 $0x0  }
0x88: {  	[sflag:s0] =	ssyncadd.s32 @!p0 s1  }
0x89: {  	[bflag:$0x3] =	sbarrier.arrive $0xFFFF  }
0x8a: {  	_ =	shalt  }

// kernel: kernel.7.cloned.1.call-start
scs
__scs_entry_jumppad:
0x0: {  	(pc) =	sbr.rel $0x88, $3  }
0x1: {  	(tag) =	ssettag $0x0;
	lr =	simm.s32 $0x1  }
0x2: {  	[smem:$0x3F94] =	sst lr;
	_ =	strace $0xD0000000  }
0x3: {  	_ = 	snop  }
0x4: {  	_ = 	snop  }
0x5: {  	_ = 	snop  }
0x6: {  	_ = 	snop  }
0x7: {  	_ = 	snop  }
__scs_overlays_trampoline_lowered:
0x8: {  	[smem:$0x3FA3] =	sst s0  }
0x9: {  	[smem:$0x3FA4] =	sst s1  }
0xa: {  	[smem:$0x3FA5] =	sst s2  }
0xb: {  	[smem:$0x3FA6] =	sst s3  }
0xc: {  	[smem:$0x3FA7] =	sst s4  }
0xd: {  	[smem:$0x3FA8] =	sst s5  }
0xe: {  	[smem:$0x3FA9] =	sst s6  }
0xf: {  	[smem:$0x3FAA] =	sst s7  }
0x10: {  	[smem:$0x3FAB] =	sst s8  }
0x11: {  	[smem:$0x3FAC] =	sst s9;
	s0 =	simm.s32 @!p0 $0x0  }
0x12: {  	s1 =	sld [smem:$0x3F92];
	s0 =	simm.s32 @p0 $0x1  }
0x13: {  	[smem:$0x3FAD] =	sst s0;
	s0 =	simm.s32 @!p1 $0x0  }
0x14: {  	s2 =	sld [smem:$0x3F91];
	s0 =	simm.s32 @p1 $0x1  }
0x15: {  	[smem:$0x3FAE] =	sst s0;
	s0 =	simm.s32 @!p2 $0x0  }
0x16: {  	s3 =	sld [smem:$0x3FDB];
	s0 =	simm.s32 @p2 $0x1  }
0x17: {  	s4 =	simm.s32 $0x1BF5;
	[smem:$0x3FB0] =	sst s0  }
0x18: {  	s0 =	sld [smem:$0x3F93];
	_ =	swait.ge [sflag:s4], $0x0  }
0x19: {  	s7 =	sld [smem:$0x3F94]  }
0x1a: {  	s8 =	sadd.s32 $0xFFFFE003, lr  }
0x1b: {  	s9 =	sadd.s32 $0xFFFFFEF7, lr;
	s5 =	simm.s32 $0xFFFFFFFF;
	p2 =	slt.u32 s8, $0xFFFFF086  }
0x1c: {  	p1 =	slt.u32 s9, $0xF7A;
	s5 =	simm.s32 @!p2 $0x0  }
0x1d: {  	s5 =	simm.s32 @p1 $0x1;
	p0 =	seq.s32 s7, s2  }
0x1e: {  	s7 =	smul.u32 @!p0 $0xF7A, s2;
	p2 =	seq.s32 @!p0 s5, $0x0  }
0x1f: {  	s9 =	smul.u32 $0xF7A, s1;
	s8 =	simm.s32 @!p0 $0x1BF5;
	p2 =	por !p2, p0  }
0x20: {  	[sflag:s8] =	ssyncset.s32 @!p0 $0xFFFFF086;
	s6 =	sadd.s32 @!p0 s3, s7;
	s7 =	simm.s32 @!p0 $0x108  }
0x21: {  	s3 =	sadd.s32 s3, s9;
	s6 =	sadd.s32 @!p0 $0x88, s6;
	s7 =	simm.s32 @p2 $0x1082  }
0x22: {  	[simem:s7], [sflag:s8] =	dma.local @!p0 [hbm:s6], $0xF7A  }
0x23: {  	s9 =	sor.u32 $0xD0000000, s2;
	s6 =	simm.s32 $0x108;
	_ =	swait.ge @!p0 [sflag:s8], $0x0  }
0x24: {  	s3 =	sadd.s32 $0x88, s3;
	s6 =	simm.s32 @!p1 $0x1082;
	[sflag:s4] =	ssyncset.s32 $0xFFFFF086  }
0x25: {  	[simem:s6], [sflag:s4] =	dma.local [hbm:s3], $0xF7A  }
0x26: {  	[smem:$0x3F94] =	sst s1;
	(tag) =	ssettag s2;
	_ =	strace s9  }
0x27: {  	s1 =	sld [smem:$0x3FA4]  }
0x28: {  	s2 =	sld [smem:$0x3FA5]  }
0x29: {  	s4 =	sld [smem:$0x3FA7]  }
0x2a: {  	p0 =	seq.s32 s5, $0x0;
	s5 =	sld [smem:$0x3FA8]  }
0x2b: {  	s6 =	sld [smem:$0x3FA9]  }
0x2c: {  	s7 =	sld [smem:$0x3FAA]  }
0x2d: {  	s3 =	simm.s32 $0x108;
	s8 =	sld [smem:$0x3FAB]  }
0x2e: {  	s3 =	simm.s32 @!p0 $0x1082;
	s9 =	sld [smem:$0x3FAC]  }
0x2f: {  	lr =	sadd.s32 s0, s3;
	s0 =	sld [smem:$0x3FA3]  }
0x30: {  	s3 =	sld [smem:$0x3FA6]  }
0x31: {  	[smem:$0x3FAF] =	sst s10  }
0x32: {  	s10 =	sld [smem:$0x3FAD];
	_ =	sdelay $0x3  }
0x33: {  	p0 =	seq.s32 s10, $0x1;
	s10 =	sld [smem:$0x3FAF];
	_ =	sdelay $0x3  }
0x34: {  	[smem:$0x3FAF] =	sst s10  }
0x35: {  	s10 =	sld [smem:$0x3FAE];
	_ =	sdelay $0x3  }
0x36: {  	p1 =	seq.s32 s10, $0x1;
	s10 =	sld [smem:$0x3FAF];
	_ =	sdelay $0x3  }
0x37: {  	[smem:$0x3FAF] =	sst s10  }
0x38: {  	s10 =	sld [smem:$0x3FB0]  }
0x39: {  	_ = 	snop;
	(pc) =	sbr.ind lr, $3  }
0x3a: {  	_ = 	snop  }
0x3b: {  	_ = 	snop  }
0x3c: {  	p2 =	seq.s32 s10, $0x1;
	s10 =	sld [smem:$0x3FAF]  }
0x3d: {  	_ =	shalt  }
0x3e: {  	_ =	shalt  }
0x3f: {  	_ =	shalt  }
0x40: {  	_ =	shalt  }
0x41: {  	_ =	shalt  }
0x42: {  	_ =	shalt  }
0x43: {  	_ =	shalt  }
0x44: {  	_ =	shalt  }
0x45: {  	_ =	shalt  }
0x46: {  	_ =	shalt  }
0x47: {  	_ =	shalt  }
0x48: {  	_ =	shalt  }
0x49: {  	_ =	shalt  }
0x4a: {  	_ =	shalt  }
0x4b: {  	_ =	shalt  }
0x4c: {  	_ =	shalt  }
0x4d: {  	_ =	shalt  }
0x4e: {  	_ =	shalt  }
0x4f: {  	_ =	shalt  }
0x50: {  	_ =	shalt  }
0x51: {  	_ =	shalt  }
0x52: {  	_ =	shalt  }
0x53: {  	_ =	shalt  }
0x54: {  	_ =	shalt  }
0x55: {  	_ =	shalt  }
0x56: {  	_ =	shalt  }
0x57: {  	_ =	shalt  }
0x58: {  	_ =	shalt  }
0x59: {  	_ =	shalt  }
0x5a: {  	_ =	shalt  }
0x5b: {  	_ =	shalt  }
0x5c: {  	_ =	shalt  }
0x5d: {  	_ =	shalt  }
0x5e: {  	_ =	shalt  }
0x5f: {  	_ =	shalt  }
0x60: {  	_ =	shalt  }
0x61: {  	_ =	shalt  }
0x62: {  	_ =	shalt  }
0x63: {  	_ =	shalt  }
0x64: {  	_ =	shalt  }
0x65: {  	_ =	shalt  }
0x66: {  	_ =	shalt  }
0x67: {  	_ =	shalt  }
0x68: {  	_ =	shalt  }
0x69: {  	_ =	shalt  }
0x6a: {  	_ =	shalt  }
0x6b: {  	_ =	shalt  }
0x6c: {  	_ =	shalt  }
0x6d: {  	_ =	shalt  }
0x6e: {  	_ =	shalt  }
0x6f: {  	_ =	shalt  }
0x70: {  	_ =	shalt  }
0x71: {  	_ =	shalt  }
0x72: {  	_ =	shalt  }
0x73: {  	_ =	shalt  }
0x74: {  	_ =	shalt  }
0x75: {  	_ =	shalt  }
0x76: {  	_ =	shalt  }
0x77: {  	_ =	shalt  }
0x78: {  	_ =	shalt  }
0x79: {  	_ =	shalt  }
0x7a: {  	_ =	shalt  }
0x7b: {  	_ =	shalt  }
0x7c: {  	_ =	shalt  }
0x7d: {  	_ =	shalt  }
0x7e: {  	_ =	shalt  }
0x7f: {  	_ =	shalt  }
0x80: {  	_ =	shalt  }
0x81: {  	_ =	shalt  }
0x82: {  	_ =	shalt  }
0x83: {  	_ =	shalt  }
0x84: {  	_ =	shalt  }
0x85: {  	_ =	shalt  }
0x86: {  	_ =	shalt  }
0x87: {  	_ =	shalt  }
.Lfunc_end0:
.L_simem_size_0:
called_computation_lowered:
.L_overlay_start_0:
0x88: {  	s2 =	sld [smem:$0x3FD9]  }
0x89: {  	s3 =	sld [smem:$0x3FFE];
	_ =	sdelay $0x1  }
0x8a: {  	s1 =	srdreg.scid  }
0x8b: {  	s0 =	sand.u32 $0x1, s1  }
0x8c: {  	s17 =	sshll.u32 s0, $0xA;
	s2 =	sadd.s32 s3, s2  }
0x8d: {  	s2 =	sadd.s32 s2, s17  }
0x8e: {  	[smem:$0x3FBB] =	sst s2  }
0x8f: {  	_ = 	snop  }
0x90: {  	s2 =	sld [smem:$0x3FC9]  }
0x91: {  	s18 =	sld [smem:$0x3FC8];
	(tm) =	ssettm $0x1  }
0x92: {  	s4 =	sld [smem:$0x3FFB];
	_ =	sdelay $0x3  }
0x93: {  	_ =	strace s4  }
0x94: {  	s4 =	sld [smem:$0x3FFC];
	_ =	sdelay $0x3  }
0x95: {  	_ =	strace s4  }
0x96: {  	s4 =	sld [smem:$0x3FFD];
	_ =	sdelay $0x3  }
0x97: {  	_ =	strace s4  }
0x98: {  	_ =	strace $0x8FFFFFFF  }
0x99: {  	s19 =	sld [smem:$0x3FDB];
	_ =	sdelay $0x1  }
0x9a: {  	s5 =	simm.s32 $_scs_section_size  }
0x9b: {  	s6 =	simm.s32 $_size__tile_overlayer_lowered;
	s7 =	simm.s32 $_tile_overlayer_lowered  }
0x9c: {  	s22 =	simm.s32 $0x1BFF;
	s21 =	sshll.u32 s7, $0x1;
	s4 =	sadd.s32 s5, s19  }
0x9d: {  	s8 =	simm.s32 $0x0;
	s20 =	sshll.u32 s6, $0x1;
	s6 =	sadd.s32 s21, s4  }
0x9e: {  	[timem:s8], [sflag:s22] =	dma.local [hbm:s6], s20  }
0x9f: {  	_ =	swait.ge [sflag:s22], s20  }
0xa0: {  	s5 =	ssub.s32 $0x0, s20;
	[sflag:s22] =	ssyncset.done $0x0  }
0xa1: {  	[sflag:s22] =	ssyncadd.s32 s5;
	_ =	sdelay $0x1  }
0xa2: {  	s23 =	simm.s32 $0x1B8B  }
0xa3: {  	_ =	swait.ge [sflag:s23], $0x1  }
0xa4: {  	[sflag:s23] =	ssyncset.done $0x0  }
0xa5: {  	s25 =	simm.s32 $0x1B8E;
	s24 =	sld [smem:$0x3FFE];
	[sflag:s23] =	ssyncadd.s32 $0xFFFFFFFF  }
0xa6: {  	s26 =	simm.s32 $execute0_lowered;
	[smem:$0x3FD2] =	sst s25  }
0xa7: {  	s6 =	sshll.u32 s26, $0x1;
	_ =	strace $0x80000046;
	[dreg:$0x1] =	wrdreg $0xFFFFFFFF  }
0xa8: {  	s28 =	simm.s32 $_size_execute0_lowered;
	s4 =	sadd.s32 s4, s6;
	[dreg:$0x0] =	wrdreg $0x0  }
0xa9: {  	s6 =	sshll.u32 s28, $0x1;
	[dreg:$0x2] =	wrdreg s4  }
0xaa: {  	[dreg:$0x3] =	wrdreg s6  }
0xab: {  	[dreg:$0x4] =	wrdreg $0xC0  }
0xac: {  	_ =	task [dreg:s8], $0x5FFFF  }
0xad: {  	[dreg:$0x1] =	wrdreg $0xFFFFFFFF  }
0xae: {  	[dreg:$0x0] =	wrdreg $0x60  }
0xaf: {  	[dreg:$0x2] =	wrdreg s2  }
0xb0: {  	[dreg:$0x3] =	wrdreg s18  }
0xb1: {  	[dreg:$0x4] =	wrdreg s24  }
0xb2: {  	[dreg:$0x5] =	wrdreg $0x85000  }
0xb3: {  	[dreg:$0x6] =	wrdreg $0x1C5000  }
0xb4: {  	[dreg:$0x7] =	wrdreg $0x9  }
0xb5: {  	_ =	task.clear_ibuf [dreg:s8], $0x8FFFF;
	_ =	strace $0x90000046  }
0xb6: {  	s29 =	simm.s32 $0x9;
	_ =	strace $0x80000048  }
0xb7: {  	_ =	swait.ge [sflag:s29], $0x1  }
0xb8: {  	[sflag:s29] =	ssyncadd.s32 $0xFFFFFFFF  }
0xb9: {  	_ =	strace $0x90000048  }
0xba: {  	_ =	sfence  }
0xbb: {  	s30 =	sld [smem:$0x0];
	_ =	sdelay $0x2  }
0xbc: {  	s31 =	sshll.u32 s1, $0xD;
	s1 =	sshrl.u32 s1, $0x2  }
0xbd: {  	s3 =	sand.u32 $0x4000, s31;
	s1 =	sadd.s32 s1, s30  }
0xbe: {  	s0 =	sor.u32 s3, s0;
	s1 =	sshll.u32 s1, $0x11  }
0xbf: {  	s0 =	sor.u32 s1, s0  }
0xc0: {  	s0 =	sadd.s32 $0x8F2B, s0  }
0xc1: {  	[sflag:s0] =	ssyncadd.remote.s32 $0x1  }
0xc2: {  	_ =	sfence.sel $0xFFFF  }
0xc3: {  	[dreg:$0x0] =	wrdreg $0xFFFFFFFF;
	(pc) =	sbr.abs _section_cstart, $3  }
0xc4: {  	[dreg:$0x1] =	wrdreg $0xFFFFFFFF  }
0xc5: {  	_ =	task.clear_ibuf [dreg:s8], $0x2FFFF;
	_ =	strace $0x9FFFFFFF  }
0xc6: {  	(tm) =	ssettm $0x7FFFFFFF  }
0xc7: {  	_ =	shalt  }
tec
execute0_lowered:
.L_overlay_start_1:
0x0: {  	(tag) =	ssettag $0x1  }
0x1: {  	s0 =	rddreg [dreg:$0x0]  }
0x2: {  	s1 =	rddreg [dreg:$0x1]  }
0x3: {  	s2 =	rddreg [dreg:$0x2];
	s16 =	stileid.u32  }
0x4: {  	s4 =	srdreg.scid;
	s8 =	smul.u32 $0x14000, s16  }
0x5: {  	s3 =	rddreg [dreg:$0x3];
	s5 =	simm.s32 $0x0;
	s9 =	smul.u32 $0x500, s16  }
0x6: {  	s6 =	sand.u32 $0x1, s4;
	s4 =	rddreg [dreg:$0x4];
	s18 =	smul.u32 $0x50000, s16  }
0x7: {  	[smem:$0x7FF] =	sst s5;
	s22 =	smul.u32 $0xA00, s16  }
0x8: {  	s29 =	ssub.s32 $0x501, s16;
	s7 =	smul.u32 $0x140000, s6;
	s10 =	sshll.u32 s6, $0x7  }
0x9: {  	_ =	strace $0x80000047;
	s19 =	ssub.s32 $0x2, s6;
	s21 =	smul.u32 $0x4E2, s6  }
0xa: {  	s17 =	sor.u32 s10, s9;
	s20 =	sshrl.u32 s19, $0x1;
	s9 =	sshrl.u32 s18, $0x2  }
0xb: {  	s7 =	sadd.s32 s8, s7;
	s8 =	sshrl.u32 s17, $0x3;
	s20 =	ssub.s32 s19, s20  }
0xc: {  	s6 =	sadd.s32 s9, s3;
	s26 =	sadd.s32 s16, s21;
	s9 =	sshrl.u32 s22, $0x2  }
0xd: {  	s14 =	sadd.s32 $0x4E2, s21;
	s16 =	sshrl.u32 s29, $0x5;
	s17 =	sadd.s32 $0x4D2, s21  }
0xe: {  	s31 =	sadd.s32 $0x4C2, s21;
	s7 =	sshrl.u32 s7, $0x3;
	s23 =	sadd.s32 $0x4000, s6  }
0xf: {  	s24 =	sadd.s32 $0x8000, s6;
	s25 =	sadd.s32 $0xC000, s6;
	[dreg:$0x6] =	wrdreg s31  }
0x10: {  	s13 =	sshll.u32 s26, $0x5;
	s11 =	sadd.s32 $0x10000, s6;
	[dreg:$0x7] =	wrdreg s23  }
0x11: {  	s12 =	sadd.s32 s9, s4;
	s20 =	smax.u32 s20, $0x1;
	[dreg:$0x8] =	wrdreg s24  }
0x12: {  	s7 =	sadd.s32 s7, s2;
	s2 =	sadd.s32 s8, s2;
	[dreg:$0x9] =	wrdreg s25  }
0x13: {  	s13 =	sadd.s32 s1, s13;
	s23 =	simm.s32 $0x200;
	s24 =	simm.s32 $0x6  }
0x14: {  	s15 =	sadd.s32 $0x200, s13;
	s18 =	sadd.s32 $0x1C00, s7;
	s19 =	sadd.s32 $0x1200, s2  }
0x15: {  	v0 =	vimm.f32 $1.000000000e+00;
	v1 =	vimm.f32 $0.0e+00;
	s28 =	sadd.s32 $0x400, s13;
	s30 =	sadd.s32 $0x600, s13;
	s2 =	simm.s32 $0x0  }
.LBB2_1:
0x16: {  	[tilespmem:$0x8200] =	vst v0  }
0x17: {  	[tilespmem:$0x8210] =	vst v0  }
0x18: {  	[tilespmem:$0x8220] =	vst v0  }
0x19: {  	[tilespmem:$0x8230] =	vst v0  }
0x1a: {  	[tilespmem:$0x8240] =	vst v0  }
0x1b: {  	[tilespmem:$0x8250] =	vst v0  }
0x1c: {  	[tilespmem:$0x8260] =	vst v0  }
0x1d: {  	[tilespmem:$0x8270] =	vst v0;
	s1 =	simm.s32 $0x0;
	s7 =	simm.s32 $0x200  }
.LBB2_2:
0x1e: {  	p0 =	sne.s32 s7, $0xFE00;
	[tilespmem:s1+$0x270] =	vst v1  }
0x1f: {  	[tilespmem:s1+$0x200] =	vst v1  }
0x20: {  	[tilespmem:s1+$0x210] =	vst v1  }
.Ltmp0:
0x21: {  	[tilespmem:s1+$0x220] =	vst v1;
	(pc) =	sbr.rel @p0 .LBB2_2-.Ltmp0, $4  }
0x22: {  	[tilespmem:s1+$0x230] =	vst v1  }
0x23: {  	[tilespmem:s1+$0x240] =	vst v1  }
0x24: {  	[tilespmem:s1+$0x250] =	vst v1  }
0x25: {  	[tilespmem:s1+$0x260] =	vst v1;
	s1 =	sshra.s32 s7, $0x2;
	s7 =	sadd.s32 $0x200, s7  }
0x26: {  	[tilespmem:s1+$0x270] =	vst v1  }
0x27: {  	[tilespmem:s1+$0x200] =	vst v1  }
0x28: {  	[tilespmem:s1+$0x210] =	vst v1  }
0x29: {  	[tilespmem:s1+$0x220] =	vst v1  }
0x2a: {  	[tilespmem:s1+$0x230] =	vst v1  }
0x2b: {  	[tilespmem:s1+$0x240] =	vst v1  }
0x2c: {  	[tilespmem:s1+$0x250] =	vst v1  }
0x2d: {  	[tilespmem:s1+$0x260] =	vst v1  }
0x2e: {  	[tilespmem:$0x8280] =	vst v1  }
0x2f: {  	[tilespmem:$0x8290] =	vst v1  }
0x30: {  	[tilespmem:$0x82A0] =	vst v1  }
0x31: {  	[tilespmem:$0x82B0] =	vst v1  }
0x32: {  	[tilespmem:$0x82C0] =	vst v1  }
0x33: {  	[tilespmem:$0x82D0] =	vst v1  }
0x34: {  	[tilespmem:$0x82E0] =	vst v1  }
0x35: {  	[tilespmem:$0x82F0] =	vst v1  }
0x36: {  	[tilespmem:$0x8300] =	vst v1  }
0x37: {  	[tilespmem:$0x8310] =	vst v1  }
0x38: {  	[tilespmem:$0x8320] =	vst v1  }
0x39: {  	[tilespmem:$0x8330] =	vst v1  }
0x3a: {  	[tilespmem:$0x8340] =	vst v1  }
0x3b: {  	[tilespmem:$0x8350] =	vst v1  }
0x3c: {  	[tilespmem:$0x8360] =	vst v1  }
0x3d: {  	[tilespmem:$0x8370] =	vst v1  }
0x3e: {  	[tilespmem:$0x8380] =	vst v1  }
0x3f: {  	[tilespmem:$0x8390] =	vst v1  }
0x40: {  	[tilespmem:$0x83A0] =	vst v1  }
0x41: {  	[tilespmem:$0x83B0] =	vst v1  }
0x42: {  	[tilespmem:$0x83C0] =	vst v1  }
0x43: {  	[tilespmem:$0x83D0] =	vst v1  }
0x44: {  	[tilespmem:$0x83E0] =	vst v1  }
0x45: {  	[tilespmem:$0x83F0] =	vst v1  }
0x46: {  	[tilespmem:$0x8400] =	vst v1  }
0x47: {  	[tilespmem:$0x8410] =	vst v1  }
0x48: {  	[tilespmem:$0x8420] =	vst v1  }
0x49: {  	[tilespmem:$0x8430] =	vst v1  }
0x4a: {  	[tilespmem:$0x8440] =	vst v1  }
0x4b: {  	[tilespmem:$0x8450] =	vst v1  }
0x4c: {  	[tilespmem:$0x8460] =	vst v1  }
0x4d: {  	[tilespmem:$0x8470] =	vst v1  }
0x4e: {  	[tilespmem:$0x8480] =	vst v1  }
0x4f: {  	[tilespmem:$0x8490] =	vst v1  }
0x50: {  	[tilespmem:$0x84A0] =	vst v1  }
0x51: {  	[tilespmem:$0x84B0] =	vst v1  }
0x52: {  	[tilespmem:$0x84C0] =	vst v1  }
0x53: {  	[tilespmem:$0x84D0] =	vst v1  }
0x54: {  	[tilespmem:$0x84E0] =	vst v1  }
0x55: {  	[tilespmem:$0x84F0] =	vst v1  }
0x56: {  	[spmem:s6] =	stream.linear.scatter [tilespmem:s23], [sflag:$0x6], $0x4000, $0x38;
	[tilespmem:$0x1C780] =	vst v63  }
0x57: {  	_ =	swait.ge [sflag:s24], $0x4000  }
0x58: {  	[sflag:s24] =	ssyncset.done $0x0  }
0x59: {  	s10 =	rddreg [dreg:$0x7];
	[sflag:s24] =	ssyncadd.s32 $0xFFFFC000  }
0x5a: {  	[spmem:s10] =	stream.linear.scatter [tilespmem:s23], [sflag:$0x6], $0x4000, $0x38;
	[tilespmem:$0x1C780] =	vst v63  }
0x5b: {  	_ =	swait.ge [sflag:s24], $0x4000  }
0x5c: {  	[sflag:s24] =	ssyncset.done $0x0  }
0x5d: {  	s21 =	rddreg [dreg:$0x8];
	[sflag:s24] =	ssyncadd.s32 $0xFFFFC000  }
0x5e: {  	[spmem:s21] =	stream.linear.scatter [tilespmem:s23], [sflag:$0x6], $0x4000, $0x38;
	[tilespmem:$0x1C780] =	vst v63  }
0x5f: {  	_ =	swait.ge [sflag:s24], $0x4000  }
0x60: {  	[sflag:s24] =	ssyncset.done $0x0  }
0x61: {  	s22 =	rddreg [dreg:$0x9];
	[sflag:s24] =	ssyncadd.s32 $0xFFFFC000  }
0x62: {  	[spmem:s22] =	stream.linear.scatter [tilespmem:s23], [sflag:$0x6], $0x4000, $0x38;
	[tilespmem:$0x1C780] =	vst v63  }
0x63: {  	_ =	swait.ge [sflag:s24], $0x4000  }
0x64: {  	[sflag:s24] =	ssyncset.done $0x0  }
0x65: {  	[sflag:s24] =	ssyncadd.s32 $0xFFFFC000  }
0x66: {  	[spmem:s11] =	stream.linear.scatter [tilespmem:s23], [sflag:$0x6], $0x4000, $0x38;
	[tilespmem:$0x1C780] =	vst v63  }
0x67: {  	_ =	swait.ge [sflag:s24], $0x4000  }
0x68: {  	[sflag:s24] =	ssyncset.done $0x0  }
0x69: {  	s25 =	simm.s32 $0x8280;
	[sflag:s24] =	ssyncadd.s32 $0xFFFFC000  }
0x6a: {  	[spmem:s12] =	stream.linear.scatter [tilespmem:s25], [sflag:$0x6], $0x280, $0x38;
	[tilespmem:$0x1C780] =	vst v63  }
0x6b: {  	_ =	swait.ge [sflag:s24], $0x280  }
0x6c: {  	[sflag:s24] =	ssyncset.done $0x0  }
0x6d: {  	[sflag:s24] =	ssyncadd.s32 $0xFFFFFD80  }
0x6e: {  	s29 =	simm.s32 $0x80;
	s1 =	sadd.s32 $0xFFFFFFFF, s16;
	[bflag:$0x0] =	sbarrier.arrive $0xFFFF  }
0x6f: {  	[tilespmem:s5], [sflag:$0x6] =	stream.linear.gather [hbm4b:s13+s5], $0x100, $0x38;
	[tilespmem:$0x1C780] =	vst v63  }
0x70: {  	s31 =	simm.s32 $0x100;
	p3 =	sne.s32 s1, $0x0;
	_ =	swait.ge [sflag:s24], $0x100  }
.Ltmp1:
0x71: {  	p0 =	sge.u32 s26, s14;
	[sflag:s24] =	ssyncset.done $0x0;
	(pc) =	sbr.rel @!p3 .LBB2_4-.Ltmp1, $4  }
0x72: {  	p1 =	sge.u32 @!p0 s26, s17;
	s7 =	sadd.s32 @!p0 $0x20, s26;
	[sflag:s24] =	ssyncadd.s32 $0xFFFFFF00  }
0x73: {  	[tilespmem:s23], [sflag:$0x1] =	stream.indirect.gather [hbm4b:s0+s29], $0x80, s5, s29, $0xb8;
	[tilespmem:$0x1C780] =	vst v63  }
0x74: {  	p6 =	por p1, p0;
	p2 =	sge.u32 @!p0 s7, s14;
	p1 =	por $0x0, $0x0  }
0x75: {  	[tilespmem:s31], [sflag:$0x4] =	stream.linear.gather [hbm4b:s15+s5], $0x100, $0x38;
	[tilespmem:$0x1C780] =	vst v63  }
0x76: {  	s7 =	simm.s32 @!p6 $0x4  }
0x77: {  	_ =	swait.ge @!p6 [sflag:s7], $0x100  }
0x78: {  	s9 =	simm.s32 @!p6 $0x4200;
	s21 =	simm.s32 @!p0 $0x1;
	[sflag:s7] =	ssyncset.done @!p6 $0x0  }
0x79: {  	s22 =	simm.s32 @!p6 $0x100;
	[sflag:s7] =	ssyncadd.s32 @!p6 $0xFFFFFF00;
	s7 =	simm.s32 @!p6 $0x80  }
0x7a: {  	[tilespmem:s9], [sflag:$0x2] =	stream.indirect.gather @!p6 [hbm4b:s0+s7], $0x80, s22, s7, $0xb8;
	[tilespmem:$0x1C780] =	vst v63  }
0x7b: {  	_ =	swait.ge @!p0 [sflag:s21], $0x4000  }
0x7c: {  	[sflag:s21] =	ssyncset.done @!p0 $0x0  }
0x7d: {  	s7 =	simm.s32 @!p0 $0x80;
	s9 =	simm.s32 @!p0 $0x8200;
	[sflag:s21] =	ssyncadd.s32 @!p0 $0xFFFFC000  }
0x7e: {  	[spmem:s4] =	stream.indirect.scatter.add.f32 @!p0 [tilespmem:s9], [sflag:$0x5], $0x1, s7, s7, $0xb8;
	[tilespmem:$0x1C780] =	vst v63  }
0x7f: {  	s21 =	simm.s32 @!p0 $0x6;
	s9 =	simm.s32 @!p0 $0x200  }
0x80: {  	[spmem:s3] =	stream.indirect.scatter.add.f32 @!p0 [tilespmem:s9], [sflag:$0x6], $0x80, s7, s7, $0xb8;
	[tilespmem:$0x1C780] =	vst v63  }
0x81: {  	_ =	swait.ge @!p0 [sflag:s21], $0x4000  }
0x82: {  	[sflag:s21] =	ssyncset.done @!p0 $0x0  }
0x83: {  	s7 =	simm.s32 @!p0 $0x5;
	[sflag:s21] =	ssyncadd.s32 @!p0 $0xFFFFC000  }
0x84: {  	p1 =	por p2, p0;
	_ =	swait.ge @!p0 [sflag:s7], $0x80  }
0x85: {  	p3 =	sge.u32 s26, s17;
	[sflag:s7] =	ssyncset.done @!p0 $0x0;
	s9 =	rddreg [dreg:$0x6]  }
0x86: {  	[sflag:s7] =	ssyncadd.s32 @!p0 $0xFFFFFF80;
	s7 =	simm.s32 @!p1 $0x0;
	p0 =	sge.u32 @!p3 s26, s9  }
0x87: {  	[tilespmem:s7], [sflag:$0x3] =	stream.linear.gather @!p1 [hbm4b:s28+s7], $0x100, $0x38;
	[tilespmem:$0x1C780] =	vst v63  }
0x88: {  	p0 =	por p0, p3  }
0x89: {  	s29 =	sadd.s32 $0xFFFFFFFF, s1;
	s7 =	simm.s32 @!p0 $0x3  }
0x8a: {  	p4 =	sne.s32 s29, $0x0;
	_ =	swait.ge @!p0 [sflag:s7], $0x100  }
0x8b: {  	s9 =	simm.s32 @!p3 $0x2;
	s1 =	simm.s32 @!p0 $0x200;
	[sflag:s7] =	ssyncset.done @!p0 $0x0  }
0x8c: {  	s21 =	simm.s32 @!p0 $0x0;
	[sflag:s7] =	ssyncadd.s32 @!p0 $0xFFFFFF00;
	s7 =	simm.s32 @!p0 $0x80  }
0x8d: {  	[tilespmem:s1], [sflag:$0x1] =	stream.indirect.gather @!p0 [hbm4b:s0+s7], $0x80, s21, s7, $0xb8;
	[tilespmem:$0x1C780] =	vst v63  }
0x8e: {  	s31 =	simm.s32 @!p3 $0x5;
	s1 =	sadd.s32 @!p3 $0x30, s26;
	_ =	swait.ge @!p3 [sflag:s9], $0x4000  }
0x8f: {  	s7 =	simm.s32 @!p3 $0x8200;
	s21 =	simm.s32 @!p3 $0x180;
	[sflag:s9] =	ssyncset.done @!p3 $0x0  }
0x90: {  	p0 =	sge.u32 @!p3 s1, s14;
	[sflag:s9] =	ssyncadd.s32 @!p3 $0xFFFFC000;
	s9 =	simm.s32 @!p3 $0x80  }
0x91: {  	[spmem:s4] =	stream.indirect.scatter.add.f32 @!p3 [tilespmem:s7], [sflag:$0x5], $0x1, s21, s9, $0xb8;
	[tilespmem:$0x1C780] =	vst v63  }
0x92: {  	s22 =	sadd.s32 $0x400, s30;
	s1 =	simm.s32 @!p3 $0x4200;
	p5 =	por p0, p3  }
0x93: {  	[spmem:s3] =	stream.indirect.scatter.add.f32 @!p3 [tilespmem:s1], [sflag:$0x6], $0x80, s21, s9, $0xb8;
	[tilespmem:$0x1C780] =	vst v63  }
0x94: {  	s7 =	simm.s32 @!p3 $0x6;
	s21 =	sadd.s32 $0x400, s28;
	s9 =	sadd.s32 $0x20, s26  }
.Ltmp2:
0x95: {  	_ =	swait.ge @!p3 [sflag:s7], $0x4000;
	p0 =	sge.u32 s9, s14;
	(pc) =	sbr.rel @!p4 .LBB2_6-.Ltmp2, $4  }
0x96: {  	s1 =	simm.s32 @!p5 $0x100;
	[sflag:s7] =	ssyncset.done @!p3 $0x0;
	p1 =	sge.u32 @!p0 s9, s17  }
0x97: {  	s25 =	sadd.s32 @!p0 $0x20, s9;
	[sflag:s7] =	ssyncadd.s32 @!p3 $0xFFFFC000;
	s7 =	simm.s32 @!p5 $0x0  }
0x98: {  	p6 =	por p1, p0;
	p2 =	sge.u32 @!p0 s25, s14;
	_ =	swait.ge @!p3 [sflag:s31], $0x80  }
0x99: {  	p1 =	por $0x1, $0x1;
	s25 =	smov.u32 s30;
	[sflag:s31] =	ssyncset.done @!p3 $0x0  }
.LBB2_7:
0x9a: {  	s8 =	simm.s32 @!p6 $0x4;
	[sflag:s31] =	ssyncadd.s32 @!p3 $0xFFFFFF80  }
0x9b: {  	[tilespmem:s1], [sflag:$0x4] =	stream.linear.gather @!p5 [hbm4b:s25+s7], $0x100, $0x38;
	[tilespmem:$0x1C780] =	vst v63  }
0x9c: {  	_ =	swait.ge @!p6 [sflag:s8], $0x100  }
0x9d: {  	s31 =	simm.s32 @!p6 $0x100;
	s1 =	simm.s32 @!p6 $0x4200;
	[sflag:s8] =	ssyncset.done @!p6 $0x0  }
0x9e: {  	s7 =	simm.s32 @!p0 $0x1;
	[sflag:s8] =	ssyncadd.s32 @!p6 $0xFFFFFF00;
	s8 =	simm.s32 @!p6 $0x80  }
0x9f: {  	[tilespmem:s1], [sflag:$0x2] =	stream.indirect.gather @!p6 [hbm4b:s0+s8], $0x80, s31, s8, $0xb8;
	[tilespmem:$0x1C780] =	vst v63  }
0xa0: {  	_ =	swait.ge @!p0 [sflag:s7], $0x4000  }
0xa1: {  	[sflag:s7] =	ssyncset.done @!p0 $0x0  }
0xa2: {  	s1 =	simm.s32 @!p0 $0x80;
	[sflag:s7] =	ssyncadd.s32 @!p0 $0xFFFFC000;
	s7 =	simm.s32 @!p0 $0x8200  }
0xa3: {  	[spmem:s4] =	stream.indirect.scatter.add.f32 @!p0 [tilespmem:s7], [sflag:$0x5], $0x1, s1, s1, $0xb8;
	[tilespmem:$0x1C780] =	vst v63  }
0xa4: {  	s8 =	simm.s32 @!p0 $0x6;
	s7 =	simm.s32 @!p0 $0x200  }
0xa5: {  	[spmem:s3] =	stream.indirect.scatter.add.f32 @!p0 [tilespmem:s7], [sflag:$0x6], $0x80, s1, s1, $0xb8;
	[tilespmem:$0x1C780] =	vst v63  }
0xa6: {  	_ =	swait.ge @!p0 [sflag:s8], $0x4000  }
0xa7: {  	[sflag:s8] =	ssyncset.done @!p0 $0x0  }
0xa8: {  	s1 =	simm.s32 @!p0 $0x5;
	[sflag:s8] =	ssyncadd.s32 @!p0 $0xFFFFC000  }
0xa9: {  	p2 =	por p2, p0;
	_ =	swait.ge @!p0 [sflag:s1], $0x80  }
0xaa: {  	p3 =	sge.u32 s9, s17;
	[sflag:s1] =	ssyncset.done @!p0 $0x0;
	s7 =	rddreg [dreg:$0x6]  }
0xab: {  	[sflag:s1] =	ssyncadd.s32 @!p0 $0xFFFFFF80;
	s1 =	simm.s32 @!p2 $0x0;
	p0 =	sge.u32 @!p3 s9, s7  }
0xac: {  	[tilespmem:s1], [sflag:$0x3] =	stream.linear.gather @!p2 [hbm4b:s21+s1], $0x100, $0x38;
	[tilespmem:$0x1C780] =	vst v63  }
0xad: {  	s1 =	sadd.s32 @!p3 $0x30, s9;
	p0 =	por p0, p3  }
0xae: {  	s29 =	sadd.s32 $0xFFFFFFFF, s29;
	p2 =	sge.u32 @!p3 s1, s14;
	s1 =	simm.s32 @!p0 $0x3  }
0xaf: {  	p4 =	sne.s32 s29, $0x0;
	_ =	swait.ge @!p0 [sflag:s1], $0x100  }
0xb0: {  	s8 =	simm.s32 @!p3 $0x2;
	s7 =	simm.s32 @!p0 $0x200;
	[sflag:s1] =	ssyncset.done @!p0 $0x0  }
0xb1: {  	s31 =	simm.s32 @!p0 $0x0;
	[sflag:s1] =	ssyncadd.s32 @!p0 $0xFFFFFF00;
	s1 =	simm.s32 @!p0 $0x80  }
0xb2: {  	[tilespmem:s7], [sflag:$0x1] =	stream.indirect.gather @!p0 [hbm4b:s0+s1], $0x80, s31, s1, $0xb8;
	[tilespmem:$0x1C780] =	vst v63  }
0xb3: {  	s25 =	smov.u32 s22;
	s22 =	sadd.s32 $0x400, s22;
	_ =	swait.ge @!p3 [sflag:s8], $0x4000  }
0xb4: {  	s10 =	simm.s32 @!p3 $0x6;
	s1 =	simm.s32 @!p3 $0x8200;
	[sflag:s8] =	ssyncset.done @!p3 $0x0  }
0xb5: {  	s7 =	simm.s32 @!p3 $0x80;
	[sflag:s8] =	ssyncadd.s32 @!p3 $0xFFFFC000;
	s8 =	simm.s32 @!p3 $0x180  }
0xb6: {  	[spmem:s4] =	stream.indirect.scatter.add.f32 @!p3 [tilespmem:s1], [sflag:$0x5], $0x1, s8, s7, $0xb8;
	[tilespmem:$0x1C780] =	vst v63  }
0xb7: {  	s21 =	sadd.s32 $0x400, s21;
	s9 =	sadd.s32 $0x20, s9;
	s1 =	simm.s32 @!p3 $0x4200  }
0xb8: {  	[spmem:s3] =	stream.indirect.scatter.add.f32 @!p3 [tilespmem:s1], [sflag:$0x6], $0x80, s8, s7, $0xb8;
	[tilespmem:$0x1C780] =	vst v63  }
.Ltmp3:
0xb9: {  	p0 =	sge.u32 s9, s14;
	_ =	swait.ge @!p3 [sflag:s10], $0x4000;
	(pc) =	sbr.rel @p4 .LBB2_7-.Ltmp3, $4  }
0xba: {  	p5 =	por p2, p3;
	p2 =	sge.u32 @!p0 s9, s17;
	[sflag:s10] =	ssyncset.done @!p3 $0x0  }
0xbb: {  	s31 =	simm.s32 @!p3 $0x5;
	p6 =	por p2, p0;
	[sflag:s10] =	ssyncadd.s32 @!p3 $0xFFFFC000  }
0xbc: {  	s1 =	simm.s32 @!p5 $0x100;
	s8 =	sadd.s32 @!p0 $0x20, s9;
	_ =	swait.ge @!p3 [sflag:s31], $0x80  }
0xbd: {  	s7 =	simm.s32 @!p5 $0x0;
	p2 =	sge.u32 @!p0 s8, s14;
	[sflag:s31] =	ssyncset.done @!p3 $0x0  }
.LBB2_8:
0xbe: {  	p3 =	por p3, !p1  }
0xbf: {  	s8 =	simm.s32 @!p6 $0x4;
	p1 =	por p5, !p1;
	[sflag:s31] =	ssyncadd.s32 @!p3 $0xFFFFFF80  }
0xc0: {  	[tilespmem:s1], [sflag:$0x4] =	stream.linear.gather @!p1 [hbm4b:s25+s7], $0x100, $0x38;
	[tilespmem:$0x1C780] =	vst v63  }
0xc1: {  	_ =	swait.ge @!p6 [sflag:s8], $0x100  }
0xc2: {  	s10 =	simm.s32 @!p6 $0x100;
	s1 =	simm.s32 @!p6 $0x4200;
	[sflag:s8] =	ssyncset.done @!p6 $0x0  }
0xc3: {  	s7 =	simm.s32 @!p0 $0x1;
	[sflag:s8] =	ssyncadd.s32 @!p6 $0xFFFFFF00;
	s8 =	simm.s32 @!p6 $0x80  }
0xc4: {  	[tilespmem:s1], [sflag:$0x2] =	stream.indirect.gather @!p6 [hbm4b:s0+s8], $0x80, s10, s8, $0xb8;
	[tilespmem:$0x1C780] =	vst v63  }
0xc5: {  	_ =	swait.ge @!p0 [sflag:s7], $0x4000  }
0xc6: {  	[sflag:s7] =	ssyncset.done @!p0 $0x0  }
0xc7: {  	s1 =	simm.s32 @!p0 $0x80;
	[sflag:s7] =	ssyncadd.s32 @!p0 $0xFFFFC000;
	s7 =	simm.s32 @!p0 $0x8200  }
0xc8: {  	[spmem:s4] =	stream.indirect.scatter.add.f32 @!p0 [tilespmem:s7], [sflag:$0x5], $0x1, s1, s1, $0xb8;
	[tilespmem:$0x1C780] =	vst v63  }
0xc9: {  	s8 =	simm.s32 @!p0 $0x6;
	s7 =	simm.s32 @!p0 $0x200  }
0xca: {  	[spmem:s3] =	stream.indirect.scatter.add.f32 @!p0 [tilespmem:s7], [sflag:$0x6], $0x80, s1, s1, $0xb8;
	[tilespmem:$0x1C780] =	vst v63  }
0xcb: {  	_ =	swait.ge @!p0 [sflag:s8], $0x4000  }
0xcc: {  	[sflag:s8] =	ssyncset.done @!p0 $0x0  }
0xcd: {  	s1 =	simm.s32 @!p0 $0x5;
	[sflag:s8] =	ssyncadd.s32 @!p0 $0xFFFFC000  }
0xce: {  	_ =	swait.ge @!p0 [sflag:s1], $0x80  }
0xcf: {  	p1 =	por p2, p0;
	[sflag:s1] =	ssyncset.done @!p0 $0x0;
	s7 =	rddreg [dreg:$0x6]  }
0xd0: {  	[sflag:s1] =	ssyncadd.s32 @!p0 $0xFFFFFF80;
	s1 =	simm.s32 @!p1 $0x0;
	p0 =	sge.u32 s9, s17  }
0xd1: {  	[tilespmem:s1], [sflag:$0x3] =	stream.linear.gather @!p1 [hbm4b:s21+s1], $0x100, $0x38;
	[tilespmem:$0x1C780] =	vst v63  }
0xd2: {  	p1 =	sge.u32 @!p0 s9, s7  }
0xd3: {  	p1 =	por p1, p0  }
0xd4: {  	s1 =	simm.s32 @!p1 $0x3  }
0xd5: {  	_ =	swait.ge @!p1 [sflag:s1], $0x100  }
0xd6: {  	s8 =	simm.s32 @!p0 $0x2;
	s7 =	simm.s32 @!p1 $0x200;
	[sflag:s1] =	ssyncset.done @!p1 $0x0  }
0xd7: {  	s10 =	simm.s32 @!p1 $0x0;
	[sflag:s1] =	ssyncadd.s32 @!p1 $0xFFFFFF00;
	s1 =	simm.s32 @!p1 $0x80  }
0xd8: {  	[tilespmem:s7], [sflag:$0x1] =	stream.indirect.gather @!p1 [hbm4b:s0+s1], $0x80, s10, s1, $0xb8;
	[tilespmem:$0x1C780] =	vst v63  }
0xd9: {  	_ =	swait.ge @!p0 [sflag:s8], $0x4000  }
0xda: {  	s1 =	simm.s32 @!p0 $0x8200;
	[sflag:s8] =	ssyncset.done @!p0 $0x0  }
0xdb: {  	s7 =	simm.s32 @!p0 $0x80;
	[sflag:s8] =	ssyncadd.s32 @!p0 $0xFFFFC000;
	s8 =	simm.s32 @!p0 $0x180  }
0xdc: {  	[spmem:s4] =	stream.indirect.scatter.add.f32 @!p0 [tilespmem:s1], [sflag:$0x5], $0x1, s8, s7, $0xb8;
	[tilespmem:$0x1C780] =	vst v63  }
0xdd: {  	s10 =	simm.s32 @!p0 $0x6;
	s1 =	simm.s32 @!p0 $0x4200  }
0xde: {  	[spmem:s3] =	stream.indirect.scatter.add.f32 @!p0 [tilespmem:s1], [sflag:$0x6], $0x80, s8, s7, $0xb8;
	[tilespmem:$0x1C780] =	vst v63  }
0xdf: {  	_ =	swait.ge @!p0 [sflag:s10], $0x4000  }
0xe0: {  	s1 =	sadd.s32 @!p0 $0x30, s9;
	[sflag:s10] =	ssyncset.done @!p0 $0x0  }
0xe1: {  	s7 =	simm.s32 @!p0 $0x5;
	p1 =	sge.u32 @!p0 s1, s14;
	[sflag:s10] =	ssyncadd.s32 @!p0 $0xFFFFC000  }
0xe2: {  	p1 =	por p1, p0;
	_ =	swait.ge @!p0 [sflag:s7], $0x80  }
0xe3: {  	s1 =	simm.s32 @!p1 $0x100;
	[sflag:s7] =	ssyncset.done @!p0 $0x0  }
0xe4: {  	s8 =	simm.s32 @!p1 $0x0;
	s10 =	stileid.u32;
	[sflag:s7] =	ssyncadd.s32 @!p0 $0xFFFFFF80  }
0xe5: {  	[tilespmem:s1], [sflag:$0x4] =	stream.linear.gather @!p1 [hbm4b:s22+s8], $0x100, $0x38;
	[tilespmem:$0x1C780] =	vst v63  }
0xe6: {  	s1 =	sshll.u32 s10, $0x6  }
0xe7: {  	s21 =	sshrl.u32 s6, $0x3;
	[bflag:$0x0] =	sbarrier.arrive $0xFFFF;
	s1 =	sor.u32 $0x1C06, s1  }
0xe8: {  	[hbm:s18], [sflag:s1] =	dma.local [spmem:s21], $0x2800  }
0xe9: {  	s29 =	simm.s32 $0x20;
	s2 =	sadd.s32 $0x1, s2;
	_ =	swait.ge [sflag:s24], $0x2800  }
0xea: {  	s31 =	simm.s32 $0x10;
	s25 =	simm.s32 $0x1;
	[sflag:s24] =	ssyncset.done $0x0  }
0xeb: {  	p0 =	sne.s32 s2, s20;
	s22 =	sshrl.u32 s12, $0x3;
	[sflag:s24] =	ssyncadd.s32 $0xFFFFD800  }
0xec: {  	[hbm:s19@s29], [sflag:s1] =	dma.strided [spmem:s22@s31], $0x50, s25, $0x10   }
.Ltmp4:
0xed: {  	_ = 	snop;
	(pc) =	sbr.rel @p0 .LBB2_1-.Ltmp4, $4  }
.Ltmp5:
0xee: {  	_ = 	snop;
	(pc) =	sbr.rel @!p0 .LBB2_9-.Ltmp5, $4  }
0xef: {  	_ =	swait.ge [sflag:s24], $0x50  }
0xf0: {  	[sflag:s24] =	ssyncset.done $0x0  }
0xf1: {  	[sflag:s24] =	ssyncadd.s32 $0xFFFFFFB0  }
0xf2: {  	_ = 	snop  }
.LBB2_4:
.Ltmp6:
0xf3: {  	(pc) =	sbr.rel .LBB2_8-.Ltmp6, $2  }
0xf4: {  	_ =	sdelay $0x2  }
0xf5: {  	s22 =	smov.u32 s30;
	s9 =	smov.u32 s26;
	s21 =	smov.u32 s28  }
.LBB2_6:
.Ltmp7:
0xf6: {  	(pc) =	sbr.rel .LBB2_8-.Ltmp7, $2  }
0xf7: {  	_ =	sdelay $0x2  }
0xf8: {  	s25 =	smov.u32 s30  }
.LBB2_9:
0xf9: {  	_ =	sfence.sel $0x180000  }
0xfa: {  	[bflag:$0x0] =	sbarrier.arrive $0xFFFF  }
0xfb: {  	_ =	strace $0x90000047  }
0xfc: {  	s0 =	stileid.u32;
	[bflag:$0x2] =	sbarrier.arrive $0xFFFF  }
0xfd: {  	p0 =	sne.s32 s0, $0x0;
	s0 =	rddreg [dreg:$0x5]  }
0xfe: {  	s0 =	sadd.s32 @!p0 $0x100000, s0  }
0xff: {  	[sflag:s0] =	ssyncadd.tile.s32 @!p0 $0x1;
	_ =	shalt  }
.Lfunc_end2:
_tile_overlayer_lowered:
.L_overlay_start_2:
0x100: {  	(tag) =	ssettag $0x2  }
0x101: {  	s0 =	rddreg [dreg:$0x0];
	s2 =	stileid.u32  }
0x102: {  	s1 =	rddreg [dreg:$0x1];
	p0 =	sne.s32 s2, $0x0  }
0x103: {  	s3 =	rddreg [dreg:$0x2];
	[bflag:$0x3] =	sbarrier.arrive $0xFFFF;
	s2 =	simm.s32 @!p0 $0x1C06  }
0x104: {  	[timem:s3], [sflag:s2] =	dma.local @!p0 [hbm:s0], s1  }
0x105: {  	s0 =	simm.s32 @!p0 $0x6  }
0x106: {  	_ =	swait.ge @!p0 [sflag:s0], s1  }
0x107: {  	s1 =	ssub.s32 @!p0 $0x0, s1;
	[sflag:s0] =	ssyncset.done @!p0 $0x0  }
0x108: {  	[sflag:s0] =	ssyncadd.s32 @!p0 s1  }
0x109: {  	[bflag:$0x3] =	sbarrier.arrive $0xFFFF  }
0x10a: {  	_ =	shalt  }

</sc_bundles>
